<compile_context>
chip_gen: v7x
topology: tpu7x:2x2x1
jax: 0.10.2.dev20260603
libtpu: 0.0.44.dev20260713+nightly
codegen_flags: <defaults>
</compile_context>

<pallas_src>
import functools

import jax
import jax.numpy as jnp
from jax import lax
from jax.experimental import pallas as pl
from jax.experimental.pallas import tpu as pltpu
from jax.experimental.pallas import tpu_sc as plsc

N = 10000
D = 128
E = 320000
NC = 2
NS = 16
NW = NC * NS
CHUNK = 128
CHUNKS_PER_W = 80
EPW = CHUNK * CHUNKS_PER_W
EP = EPW * NW
ACC_ROWS = 10112
ZROWS_PER_S = ACC_ROWS // NS
OROWS_PER_S = ZROWS_PER_S
TRASH = N
DEGW = 16

_mesh = plsc.VectorSubcoreMesh(core_axis_name="c", subcore_axis_name="s")


@functools.partial(
    pl.kernel,
    out_type=jax.ShapeDtypeStruct((NC, ACC_ROWS, DEGW), jnp.float32),
    mesh=_mesh,
    scratch_types=[
        pltpu.VMEM((CHUNK,), jnp.int32),
        pltpu.VMEM((CHUNK, DEGW), jnp.float32),
        pltpu.VMEM_SHARED((ACC_ROWS, DEGW), jnp.float32),
    ],
)
def _deg_kernel(dst_hbm, out_hbm, dst_v, ones_v, cnt_sh):
    c = lax.axis_index("c")
    s = lax.axis_index("s")
    wid = s * NC + c

    def fill_body(i, _):
        for j in range(DEGW // 16):
            ones_v[i, pl.ds(j * 16, 16)] = jnp.ones((16,), jnp.float32)
        return _

    def zero_body(i, _):
        for j in range(DEGW // 16):
            ones_v[i, pl.ds(j * 16, 16)] = jnp.zeros((16,), jnp.float32)
        return _

    lax.fori_loop(0, CHUNK, zero_body, None)
    zbase = s * ZROWS_PER_S
    for k in range(ZROWS_PER_S // CHUNK):
        pltpu.sync_copy(ones_v, cnt_sh.at[pl.ds(zbase + k * CHUNK, CHUNK)])
    rem = ZROWS_PER_S % CHUNK
    if rem:
        pltpu.sync_copy(ones_v.at[pl.ds(0, rem)],
                        cnt_sh.at[pl.ds(zbase + (ZROWS_PER_S // CHUNK) * CHUNK, rem)])
    lax.fori_loop(0, CHUNK, fill_body, None)
    plsc.subcore_barrier()

    def body(t, _):
        base = wid * EPW + t * CHUNK
        pltpu.sync_copy(dst_hbm.at[pl.ds(base, CHUNK)], dst_v)
        pltpu.sync_copy(ones_v, cnt_sh.at[dst_v], add=True)
        return _

    lax.fori_loop(0, CHUNKS_PER_W, body, None)
    plsc.subcore_barrier()
    obase = s * OROWS_PER_S
    pltpu.sync_copy(cnt_sh.at[pl.ds(obase, OROWS_PER_S)],
                    out_hbm.at[c, pl.ds(obase, OROWS_PER_S)])


NBUF = 2


@functools.partial(
    pl.kernel,
    out_type=jax.ShapeDtypeStruct((NC, ACC_ROWS, D), jnp.float32),
    mesh=_mesh,
    scratch_types=[
        pltpu.VMEM((CHUNKS_PER_W, CHUNK), jnp.int32),
        pltpu.VMEM((CHUNK,), jnp.int32),
        pltpu.VMEM((CHUNK,), jnp.int32),
        pltpu.VMEM((CHUNK, D), jnp.float32),
        pltpu.VMEM((CHUNK, D), jnp.float32),
        pltpu.VMEM_SHARED((ACC_ROWS, D), jnp.float32),
        pltpu.SemaphoreType.DMA,
        pltpu.SemaphoreType.DMA,
        pltpu.SemaphoreType.DMA,
        pltpu.SemaphoreType.DMA,
    ],
)
def _scatter_kernel(src_hbm, dst_hbm, hs_hbm, out_hbm,
                    src_all, dv0, dv1, rows0, rows1, acc_sh,
                    semg0, semg1, semi0, semi1):
    c = lax.axis_index("c")
    s = lax.axis_index("s")
    wid = s * NC + c
    rows = (rows0, rows1)
    semg = (semg0, semg1)
    semi = (semi0, semi1)
    dstv = (dv0, dv1)

    def zero_body(i, _):
        for j in range(D // 16):
            rows0[i, pl.ds(j * 16, 16)] = jnp.zeros((16,), jnp.float32)
        return _

    lax.fori_loop(0, CHUNK, zero_body, None)
    zbase = s * ZROWS_PER_S
    for k in range(ZROWS_PER_S // CHUNK):
        pltpu.sync_copy(rows0, acc_sh.at[pl.ds(zbase + k * CHUNK, CHUNK)])
    rem = ZROWS_PER_S % CHUNK
    if rem:
        pltpu.sync_copy(rows0.at[pl.ds(0, rem)],
                        acc_sh.at[pl.ds(zbase + (ZROWS_PER_S // CHUNK) * CHUNK, rem)])

    pltpu.sync_copy(src_hbm.at[pl.ds(wid * CHUNKS_PER_W, CHUNKS_PER_W)],
                    src_all)
    plsc.subcore_barrier()

    ebase = wid * EPW
    for b in range(NBUF):
        pltpu.async_copy(dst_hbm.at[pl.ds(ebase + b * CHUNK, CHUNK)],
                         dstv[b], semi[b])
        pltpu.async_copy(hs_hbm.at[src_all.at[b]], rows[b], semg[b])

    def body(g, _):
        for b in range(NBUF):
            t = g * NBUF + b
            pltpu.make_async_copy(hs_hbm.at[src_all.at[t]], rows[b],
                                  semg[b]).wait()
            pltpu.make_async_copy(dst_hbm.at[pl.ds(0, CHUNK)], dstv[b],
                                  semi[b]).wait()
            pltpu.sync_copy(rows[b], acc_sh.at[dstv[b]], add=True)
            nxt = t + NBUF

            @pl.when(nxt < CHUNKS_PER_W)
            def _start():
                pltpu.async_copy(dst_hbm.at[pl.ds(ebase + nxt * CHUNK, CHUNK)],
                                 dstv[b], semi[b])
                pltpu.async_copy(hs_hbm.at[src_all.at[nxt]], rows[b], semg[b])

        return _

    lax.fori_loop(0, CHUNKS_PER_W // NBUF, body, None)

    plsc.subcore_barrier()
    obase = s * OROWS_PER_S
    pltpu.sync_copy(acc_sh.at[pl.ds(obase, OROWS_PER_S)],
                    out_hbm.at[c, pl.ds(obase, OROWS_PER_S)])


BLK = 1000
GRID = N // BLK


def _p1_body(x_ref, w_ref, c0_ref, c1_ref, hs_ref, dv_ref):
    deg = c0_ref[:, 0:1] + c1_ref[:, 0:1] + 1.0
    dinv = lax.rsqrt(deg)
    g = jnp.dot(x_ref[...], w_ref[...], preferred_element_type=jnp.float32)
    hs_ref[...] = g * dinv
    dv_ref[...] = jnp.broadcast_to(dinv, (BLK, DEGW))


def _p1_call(x, W1, c0, c1):
    return pl.pallas_call(
        _p1_body,
        grid=(GRID,),
        in_specs=[
            pl.BlockSpec((BLK, D), lambda i: (i, 0)),
            pl.BlockSpec((D, D), lambda i: (0, 0)),
            pl.BlockSpec((BLK, DEGW), lambda i: (i, 0)),
            pl.BlockSpec((BLK, DEGW), lambda i: (i, 0)),
        ],
        out_specs=[
            pl.BlockSpec((BLK, D), lambda i: (i, 0)),
            pl.BlockSpec((BLK, DEGW), lambda i: (i, 0)),
        ],
        out_shape=[
            jax.ShapeDtypeStruct((N, D), jnp.float32),
            jax.ShapeDtypeStruct((N, DEGW), jnp.float32),
        ],
    )(x, W1, c0, c1)


def _p2_body(hs_ref, p0_ref, p1_ref, dv_ref, w_ref, b_ref, out_ref):
    dinv = dv_ref[:, 0:1]
    t = hs_ref[...] + p0_ref[...] + p1_ref[...]
    h = t * dinv + b_ref[...]
    h = jnp.where(h >= 0, h, 0.01 * h)
    out_ref[...] = jnp.dot(h, w_ref[...], preferred_element_type=jnp.float32) * dinv


def _p3_body(hs_ref, p0_ref, p1_ref, dv_ref, w_ref, b_ref, bo_ref, out_ref):
    dinv = dv_ref[:, 0:1]
    t = hs_ref[...] + p0_ref[...] + p1_ref[...]
    h = t * dinv + b_ref[...]
    h = jnp.where(h >= 0, h, 0.01 * h)
    out_ref[...] = (jnp.dot(h, w_ref[...], preferred_element_type=jnp.float32)
                    + bo_ref[...])


def _p23_call(body, hs, p0, p1, dv, W, b, bo=None):
    n_extra = 0 if bo is None else 1
    in_specs = [
        pl.BlockSpec((BLK, D), lambda i: (i, 0)),
        pl.BlockSpec((BLK, D), lambda i: (i, 0)),
        pl.BlockSpec((BLK, D), lambda i: (i, 0)),
        pl.BlockSpec((BLK, DEGW), lambda i: (i, 0)),
        pl.BlockSpec((D, D), lambda i: (0, 0)),
        pl.BlockSpec((1, D), lambda i: (0, 0)),
    ] + [pl.BlockSpec((1, D), lambda i: (0, 0))] * n_extra
    args = (hs, p0, p1, dv, W, b.reshape(1, D)) + (
        (bo.reshape(1, D),) if bo is not None else ())
    return pl.pallas_call(
        body,
        grid=(GRID,),
        in_specs=in_specs,
        out_specs=pl.BlockSpec((BLK, D), lambda i: (i, 0)),
        out_shape=jax.ShapeDtypeStruct((N, D), jnp.float32),
    )(*args)


def kernel(x, edge_index, W1, b1, W2, b2, Wo, bo):
    src = edge_index[0].astype(jnp.int32)
    dst = edge_index[1].astype(jnp.int32)
    pad = EP - E
    src_p = jnp.concatenate([src, jnp.zeros((pad,), jnp.int32)])
    dst_p = jnp.concatenate([dst, jnp.full((pad,), TRASH, jnp.int32)])
    src_c = src_p.reshape(EP // CHUNK, CHUNK)

    cnt = _deg_kernel(dst_p)
    hs1, dv = _p1_call(x, W1, cnt[0], cnt[1])
    parts1 = _scatter_kernel(src_c, dst_p, hs1)
    hs2 = _p23_call(_p2_body, hs1, parts1[0], parts1[1], dv, W2, b1)
    parts2 = _scatter_kernel(src_c, dst_p, hs2)
    out = _p23_call(_p3_body, hs2, parts2[0], parts2[1], dv, Wo, b2, bo)
    return out

# --- scband reference (transcript-rebuilt; emitter-appended) ---
"""Pipeline reference for scband-gnnmodel-89094801588808 (READ-ONLY COPY).

The authoritative reference and input builder live on the scoring server;
editing this copy changes nothing except your own understanding.
"""

import jax, jax.numpy as jnp
import numpy as np

N_NODES = 10000
N_EDGES = 320000
D_IN = 128
D_HID = 128
D_OUT = 128


def setup_inputs(seed: int = 0) -> dict:
    key = jax.random.key(seed)
    ks = jax.random.split(key, 10)
    x = jax.random.normal(ks[0], (N_NODES, D_IN), dtype=jnp.float32)
    edge_index = jax.random.randint(ks[1], (2, N_EDGES), 0, N_NODES, dtype=jnp.int64 if jax.config.read('jax_enable_x64') else jnp.int32)
    s1 = 1.0 / np.sqrt(D_IN)
    s2 = 1.0 / np.sqrt(D_HID)
    W1 = jax.random.uniform(ks[2], (D_IN, D_HID), dtype=jnp.float32, minval=-s1, maxval=s1)
    b1 = jnp.zeros((D_HID,), dtype=jnp.float32)
    W2 = jax.random.uniform(ks[3], (D_HID, D_HID), dtype=jnp.float32, minval=-s2, maxval=s2)
    b2 = jnp.zeros((D_HID,), dtype=jnp.float32)
    Wo = jax.random.uniform(ks[4], (D_HID, D_OUT), dtype=jnp.float32, minval=-s2, maxval=s2)
    bo = jax.random.uniform(ks[5], (D_OUT,), dtype=jnp.float32, minval=-s2, maxval=s2)
    return {"x": x, "edge_index": edge_index, "W1": W1, "b1": b1, "W2": W2, "b2": b2, "Wo": Wo, "bo": bo}


def _gcn_conv(x, src, dst, W, b):
    # PyG GCNConv: add self-loops, symmetric normalization, linear transform, scatter-add, bias
    n = x.shape[0]
    loop = jnp.arange(n, dtype=src.dtype)
    src_sl = jnp.concatenate([src, loop])
    dst_sl = jnp.concatenate([dst, loop])
    deg = jnp.zeros((n,), dtype=x.dtype).at[dst_sl].add(1.0)
    dinv = jnp.where(deg > 0, deg ** -0.5, 0.0)
    norm = dinv[src_sl] * dinv[dst_sl]
    h = x @ W
    msg = h[src_sl] * norm[:, None]
    out = jnp.zeros((n, W.shape[1]), dtype=x.dtype).at[dst_sl].add(msg)
    return out + b


def _leaky_relu(x):
    return jnp.where(x >= 0, x, 0.01 * x)


def reference(x, edge_index, W1, b1, W2, b2, Wo, bo):
    src = edge_index[0]
    dst = edge_index[1]
    h = _gcn_conv(x, src, dst, W1, b1)
    h = _leaky_relu(h)
    h = _gcn_conv(h, src, dst, W2, b2)
    h = _leaky_relu(h)
    out = h @ Wo + bo
    return out

if __name__ == "__main__":
    import jax
    _d = setup_inputs()
    print(jax.jit(kernel)(*tuple(_d.values())))

</pallas_src>

<mosaic_0001>
#map = affine_map<(d0, d1) -> (0, 0)>
#map1 = affine_map<(d0, d1) -> (0)>
#map2 = affine_map<(d0, d1) -> (0, 0, 0)>
module attributes {stable_mosaic.version = 14 : i64} {
  func.func @_scatter_kernel(%arg0: i32, %arg1: i32, %arg2: memref<2560x128xi32, #tpu.memory_space<hbm>>, %arg3: memref<327680xi32, #tpu.memory_space<hbm>>, %arg4: memref<10000x128xf32, #tpu.memory_space<hbm>>, %arg5: memref<2x10112x128xf32, #tpu.memory_space<hbm>>, %arg6: memref<80x128xi32, #tpu.memory_space<vmem>>, %arg7: memref<128xi32, #tpu.memory_space<vmem>>, %arg8: memref<128xi32, #tpu.memory_space<vmem>>, %arg9: memref<128x128xf32, #tpu.memory_space<vmem>>, %arg10: memref<128x128xf32, #tpu.memory_space<vmem>>, %arg11: memref<10112x128xf32, #tpu.memory_space<vmem_shared>>, %arg12: memref<!tpu.dma_semaphore, #tpu.memory_space<semaphore_mem>>, %arg13: memref<!tpu.dma_semaphore, #tpu.memory_space<semaphore_mem>>, %arg14: memref<!tpu.dma_semaphore, #tpu.memory_space<semaphore_mem>>, %arg15: memref<!tpu.dma_semaphore, #tpu.memory_space<semaphore_mem>>) attributes {dimension_semantics = [#tpu.dimension_semantics<core_parallel>, #tpu.dimension_semantics<subcore_parallel>], iteration_bounds = array<i64: 2, 16>, scalar_prefetch = 0 : i64, scratch_operands = 10 : i64, tpu.core_type = #tpu.core_type<sc_vector_subcore>, window_params = [{transform_indices = #map}, {transform_indices = #map1}, {transform_indices = #map}, {transform_indices = #map2}]} {
    %mul3A = arith.constant 2 : i32
    %mul3A_0 = arith.muli %arg1, %mul3A : i32
    %add3A = arith.addi %mul3A_0, %arg0 : i32
    %scan3A = arith.constant 0 : i32
    %scan3A_1 = arith.constant 128 : i32
    %scan3A_2 = arith.addi %scan3A, %scan3A_1 : i32
    %scan3A_3 = arith.constant 1 : i32
    scf.for %scan3A_50 = %scan3A to %scan3A_2 step %scan3A_3  : i32 {
      %broadcast_in_dim3A = arith.constant 0.000000e+00 : f32
      %broadcast_in_dim3A_51 = vector.broadcast %broadcast_in_dim3A : f32 to vector<16xf32>
      %swap3A = arith.index_cast %scan3A_50 : i32 to index
      %swap3A_52 = arith.constant 0 : index
      %swap3A_53 = tpu.vector_load %arg9[%swap3A, %swap3A_52] {strides = array<i32>} : memref<128x128xf32, #tpu.memory_space<vmem>>, vector<1x16xf32>,
      %swap3A_54 = vector.shape_cast %swap3A_53 : vector<1x16xf32> to vector<16xf32>
      %swap3A_55 = vector.shape_cast %broadcast_in_dim3A_51 : vector<16xf32> to vector<1x16xf32>
      tpu.vector_store %arg9[%swap3A, %swap3A_52], %swap3A_55 {strides = array<i32>} : memref<128x128xf32, #tpu.memory_space<vmem>>, vector<1x16xf32>,
      %broadcast_in_dim3A_56 = arith.constant 0.000000e+00 : f32
      %broadcast_in_dim3A_57 = vector.broadcast %broadcast_in_dim3A_56 : f32 to vector<16xf32>
      %swap3A_58 = arith.index_cast %scan3A_50 : i32 to index
      %swap3A_59 = arith.constant 16 : index
      %swap3A_60 = tpu.vector_load %arg9[%swap3A_58, %swap3A_59] {strides = array<i32>} : memref<128x128xf32, #tpu.memory_space<vmem>>, vector<1x16xf32>,
      %swap3A_61 = vector.shape_cast %swap3A_60 : vector<1x16xf32> to vector<16xf32>
      %swap3A_62 = vector.shape_cast %broadcast_in_dim3A_57 : vector<16xf32> to vector<1x16xf32>
      tpu.vector_store %arg9[%swap3A_58, %swap3A_59], %swap3A_62 {strides = array<i32>} : memref<128x128xf32, #tpu.memory_space<vmem>>, vector<1x16xf32>,
      %broadcast_in_dim3A_63 = arith.constant 0.000000e+00 : f32
      %broadcast_in_dim3A_64 = vector.broadcast %broadcast_in_dim3A_63 : f32 to vector<16xf32>
      %swap3A_65 = arith.index_cast %scan3A_50 : i32 to index
      %swap3A_66 = arith.constant 32 : index
      %swap3A_67 = tpu.vector_load %arg9[%swap3A_65, %swap3A_66] {strides = array<i32>} : memref<128x128xf32, #tpu.memory_space<vmem>>, vector<1x16xf32>,
      %swap3A_68 = vector.shape_cast %swap3A_67 : vector<1x16xf32> to vector<16xf32>
      %swap3A_69 = vector.shape_cast %broadcast_in_dim3A_64 : vector<16xf32> to vector<1x16xf32>
      tpu.vector_store %arg9[%swap3A_65, %swap3A_66], %swap3A_69 {strides = array<i32>} : memref<128x128xf32, #tpu.memory_space<vmem>>, vector<1x16xf32>,
      %broadcast_in_dim3A_70 = arith.constant 0.000000e+00 : f32
      %broadcast_in_dim3A_71 = vector.broadcast %broadcast_in_dim3A_70 : f32 to vector<16xf32>
      %swap3A_72 = arith.index_cast %scan3A_50 : i32 to index
      %swap3A_73 = arith.constant 48 : index
      %swap3A_74 = tpu.vector_load %arg9[%swap3A_72, %swap3A_73] {strides = array<i32>} : memref<128x128xf32, #tpu.memory_space<vmem>>, vector<1x16xf32>,
      %swap3A_75 = vector.shape_cast %swap3A_74 : vector<1x16xf32> to vector<16xf32>
      %swap3A_76 = vector.shape_cast %broadcast_in_dim3A_71 : vector<16xf32> to vector<1x16xf32>
      tpu.vector_store %arg9[%swap3A_72, %swap3A_73], %swap3A_76 {strides = array<i32>} : memref<128x128xf32, #tpu.memory_space<vmem>>, vector<1x16xf32>,
      %broadcast_in_dim3A_77 = arith.constant 0.000000e+00 : f32
      %broadcast_in_dim3A_78 = vector.broadcast %broadcast_in_dim3A_77 : f32 to vector<16xf32>
      %swap3A_79 = arith.index_cast %scan3A_50 : i32 to index
      %swap3A_80 = arith.constant 64 : index
      %swap3A_81 = tpu.vector_load %arg9[%swap3A_79, %swap3A_80] {strides = array<i32>} : memref<128x128xf32, #tpu.memory_space<vmem>>, vector<1x16xf32>,
      %swap3A_82 = vector.shape_cast %swap3A_81 : vector<1x16xf32> to vector<16xf32>
      %swap3A_83 = vector.shape_cast %broadcast_in_dim3A_78 : vector<16xf32> to vector<1x16xf32>
      tpu.vector_store %arg9[%swap3A_79, %swap3A_80], %swap3A_83 {strides = array<i32>} : memref<128x128xf32, #tpu.memory_space<vmem>>, vector<1x16xf32>,
      %broadcast_in_dim3A_84 = arith.constant 0.000000e+00 : f32
      %broadcast_in_dim3A_85 = vector.broadcast %broadcast_in_dim3A_84 : f32 to vector<16xf32>
      %swap3A_86 = arith.index_cast %scan3A_50 : i32 to index
      %swap3A_87 = arith.constant 80 : index
      %swap3A_88 = tpu.vector_load %arg9[%swap3A_86, %swap3A_87] {strides = array<i32>} : memref<128x128xf32, #tpu.memory_space<vmem>>, vector<1x16xf32>,
      %swap3A_89 = vector.shape_cast %swap3A_88 : vector<1x16xf32> to vector<16xf32>
      %swap3A_90 = vector.shape_cast %broadcast_in_dim3A_85 : vector<16xf32> to vector<1x16xf32>
      tpu.vector_store %arg9[%swap3A_86, %swap3A_87], %swap3A_90 {strides = array<i32>} : memref<128x128xf32, #tpu.memory_space<vmem>>, vector<1x16xf32>,
      %broadcast_in_dim3A_91 = arith.constant 0.000000e+00 : f32
      %broadcast_in_dim3A_92 = vector.broadcast %broadcast_in_dim3A_91 : f32 to vector<16xf32>
      %swap3A_93 = arith.index_cast %scan3A_50 : i32 to index
      %swap3A_94 = arith.constant 96 : index
      %swap3A_95 = tpu.vector_load %arg9[%swap3A_93, %swap3A_94] {strides = array<i32>} : memref<128x128xf32, #tpu.memory_space<vmem>>, vector<1x16xf32>,
      %swap3A_96 = vector.shape_cast %swap3A_95 : vector<1x16xf32> to vector<16xf32>
      %swap3A_97 = vector.shape_cast %broadcast_in_dim3A_92 : vector<16xf32> to vector<1x16xf32>
      tpu.vector_store %arg9[%swap3A_93, %swap3A_94], %swap3A_97 {strides = array<i32>} : memref<128x128xf32, #tpu.memory_space<vmem>>, vector<1x16xf32>,
      %broadcast_in_dim3A_98 = arith.constant 0.000000e+00 : f32
      %broadcast_in_dim3A_99 = vector.broadcast %broadcast_in_dim3A_98 : f32 to vector<16xf32>
      %swap3A_100 = arith.index_cast %scan3A_50 : i32 to index
      %swap3A_101 = arith.constant 112 : index
      %swap3A_102 = tpu.vector_load %arg9[%swap3A_100, %swap3A_101] {strides = array<i32>} : memref<128x128xf32, #tpu.memory_space<vmem>>, vector<1x16xf32>,
      %swap3A_103 = vector.shape_cast %swap3A_102 : vector<1x16xf32> to vector<16xf32>
      %swap3A_104 = vector.shape_cast %broadcast_in_dim3A_99 : vector<16xf32> to vector<1x16xf32>
      tpu.vector_store %arg9[%swap3A_100, %swap3A_101], %swap3A_104 {strides = array<i32>} : memref<128x128xf32, #tpu.memory_space<vmem>>, vector<1x16xf32>,
    }
    %scan3A_4 = arith.constant 128 : i32
    %mul3A_5 = arith.constant 632 : i32
    %mul3A_6 = arith.muli %arg1, %mul3A_5 : i32
    %add3A_7 = arith.constant 0 : i32
    %add3A_8 = arith.addi %mul3A_6, %add3A_7 : i32
    "tpu.region"() ({
      %run_scoped3A = tpu.sem_alloc : memref<!tpu.dma_semaphore, #tpu.memory_space<semaphore_mem>>
      %dma_start3A_50 = arith.constant 0 : i32
      %dma_start3A_51 = tpu.memref_slice %arg11[%add3A_8, %dma_start3A_50] : memref<10112x128xf32, #tpu.memory_space<vmem_shared>> -> memref<128x128xf32, #tpu.memory_space<vmem_shared>>
      %dma_start3A_52 = arith.constant 0 : i32
      %dma_start3A_53 = tpu.memref_slice %arg11[%add3A_8, %dma_start3A_52] : memref<10112x128xf32, #tpu.memory_space<vmem_shared>> -> memref<128x128xf32, #tpu.memory_space<vmem_shared>>
      tpu.enqueue_dma source(%arg9 : memref<128x128xf32, #tpu.memory_space<vmem>>) target(%dma_start3A_53 : memref<128x128xf32, #tpu.memory_space<vmem_shared>>) target_semaphore(%run_scoped3A : memref<!tpu.dma_semaphore, #tpu.memory_space<semaphore_mem>>)
      %dma_wait3A = arith.constant 0 : i32
      %dma_wait3A_54 = tpu.memref_slice %arg11[%add3A_8, %dma_wait3A] : memref<10112x128xf32, #tpu.memory_space<vmem_shared>> -> memref<128x128xf32, #tpu.memory_space<vmem_shared>>
      %dma_wait3A_55 = arith.constant 0 : i32
      %dma_wait3A_56 = tpu.memref_slice %arg11[%add3A_8, %dma_wait3A_55] : memref<10112x128xf32, #tpu.memory_space<vmem_shared>> -> memref<128x128xf32, #tpu.memory_space<vmem_shared>>
      tpu.wait_dma2 semaphore(%run_scoped3A : memref<!tpu.dma_semaphore, #tpu.memory_space<semaphore_mem>>) src(%arg9 : memref<128x128xf32, #tpu.memory_space<vmem>>) dst(%dma_wait3A_56 : memref<128x128xf32, #tpu.memory_space<vmem_shared>>)
      tpu.yield
    }) : () -> ()
    %add3A_9 = arith.constant 128 : i32
    %add3A_10 = arith.addi %mul3A_6, %add3A_9 : i32
    "tpu.region"() ({
      %run_scoped3A = tpu.sem_alloc : memref<!tpu.dma_semaphore, #tpu.memory_space<semaphore_mem>>
      %dma_start3A_50 = arith.constant 0 : i32
      %dma_start3A_51 = tpu.memref_slice %arg11[%add3A_10, %dma_start3A_50] : memref<10112x128xf32, #tpu.memory_space<vmem_shared>> -> memref<128x128xf32, #tpu.memory_space<vmem_shared>>
      %dma_start3A_52 = arith.constant 0 : i32
      %dma_start3A_53 = tpu.memref_slice %arg11[%add3A_10, %dma_start3A_52] : memref<10112x128xf32, #tpu.memory_space<vmem_shared>> -> memref<128x128xf32, #tpu.memory_space<vmem_shared>>
      tpu.enqueue_dma source(%arg9 : memref<128x128xf32, #tpu.memory_space<vmem>>) target(%dma_start3A_53 : memref<128x128xf32, #tpu.memory_space<vmem_shared>>) target_semaphore(%run_scoped3A : memref<!tpu.dma_semaphore, #tpu.memory_space<semaphore_mem>>)
      %dma_wait3A = arith.constant 0 : i32
      %dma_wait3A_54 = tpu.memref_slice %arg11[%add3A_10, %dma_wait3A] : memref<10112x128xf32, #tpu.memory_space<vmem_shared>> -> memref<128x128xf32, #tpu.memory_space<vmem_shared>>
      %dma_wait3A_55 = arith.constant 0 : i32
      %dma_wait3A_56 = tpu.memref_slice %arg11[%add3A_10, %dma_wait3A_55] : memref<10112x128xf32, #tpu.memory_space<vmem_shared>> -> memref<128x128xf32, #tpu.memory_space<vmem_shared>>
      tpu.wait_dma2 semaphore(%run_scoped3A : memref<!tpu.dma_semaphore, #tpu.memory_space<semaphore_mem>>) src(%arg9 : memref<128x128xf32, #tpu.memory_space<vmem>>) dst(%dma_wait3A_56 : memref<128x128xf32, #tpu.memory_space<vmem_shared>>)
      tpu.yield
    }) : () -> ()
    %add3A_11 = arith.constant 256 : i32
    %add3A_12 = arith.addi %mul3A_6, %add3A_11 : i32
    "tpu.region"() ({
      %run_scoped3A = tpu.sem_alloc : memref<!tpu.dma_semaphore, #tpu.memory_space<semaphore_mem>>
      %dma_start3A_50 = arith.constant 0 : i32
      %dma_start3A_51 = tpu.memref_slice %arg11[%add3A_12, %dma_start3A_50] : memref<10112x128xf32, #tpu.memory_space<vmem_shared>> -> memref<128x128xf32, #tpu.memory_space<vmem_shared>>
      %dma_start3A_52 = arith.constant 0 : i32
      %dma_start3A_53 = tpu.memref_slice %arg11[%add3A_12, %dma_start3A_52] : memref<10112x128xf32, #tpu.memory_space<vmem_shared>> -> memref<128x128xf32, #tpu.memory_space<vmem_shared>>
      tpu.enqueue_dma source(%arg9 : memref<128x128xf32, #tpu.memory_space<vmem>>) target(%dma_start3A_53 : memref<128x128xf32, #tpu.memory_space<vmem_shared>>) target_semaphore(%run_scoped3A : memref<!tpu.dma_semaphore, #tpu.memory_space<semaphore_mem>>)
      %dma_wait3A = arith.constant 0 : i32
      %dma_wait3A_54 = tpu.memref_slice %arg11[%add3A_12, %dma_wait3A] : memref<10112x128xf32, #tpu.memory_space<vmem_shared>> -> memref<128x128xf32, #tpu.memory_space<vmem_shared>>
      %dma_wait3A_55 = arith.constant 0 : i32
      %dma_wait3A_56 = tpu.memref_slice %arg11[%add3A_12, %dma_wait3A_55] : memref<10112x128xf32, #tpu.memory_space<vmem_shared>> -> memref<128x128xf32, #tpu.memory_space<vmem_shared>>
      tpu.wait_dma2 semaphore(%run_scoped3A : memref<!tpu.dma_semaphore, #tpu.memory_space<semaphore_mem>>) src(%arg9 : memref<128x128xf32, #tpu.memory_space<vmem>>) dst(%dma_wait3A_56 : memref<128x128xf32, #tpu.memory_space<vmem_shared>>)
      tpu.yield
    }) : () -> ()
    %add3A_13 = arith.constant 384 : i32
    %add3A_14 = arith.addi %mul3A_6, %add3A_13 : i32
    "tpu.region"() ({
      %run_scoped3A = tpu.sem_alloc : memref<!tpu.dma_semaphore, #tpu.memory_space<semaphore_mem>>
      %dma_start3A_50 = arith.constant 0 : i32
      %dma_start3A_51 = tpu.memref_slice %arg11[%add3A_14, %dma_start3A_50] : memref<10112x128xf32, #tpu.memory_space<vmem_shared>> -> memref<128x128xf32, #tpu.memory_space<vmem_shared>>
      %dma_start3A_52 = arith.constant 0 : i32
      %dma_start3A_53 = tpu.memref_slice %arg11[%add3A_14, %dma_start3A_52] : memref<10112x128xf32, #tpu.memory_space<vmem_shared>> -> memref<128x128xf32, #tpu.memory_space<vmem_shared>>
      tpu.enqueue_dma source(%arg9 : memref<128x128xf32, #tpu.memory_space<vmem>>) target(%dma_start3A_53 : memref<128x128xf32, #tpu.memory_space<vmem_shared>>) target_semaphore(%run_scoped3A : memref<!tpu.dma_semaphore, #tpu.memory_space<semaphore_mem>>)
      %dma_wait3A = arith.constant 0 : i32
      %dma_wait3A_54 = tpu.memref_slice %arg11[%add3A_14, %dma_wait3A] : memref<10112x128xf32, #tpu.memory_space<vmem_shared>> -> memref<128x128xf32, #tpu.memory_space<vmem_shared>>
      %dma_wait3A_55 = arith.constant 0 : i32
      %dma_wait3A_56 = tpu.memref_slice %arg11[%add3A_14, %dma_wait3A_55] : memref<10112x128xf32, #tpu.memory_space<vmem_shared>> -> memref<128x128xf32, #tpu.memory_space<vmem_shared>>
      tpu.wait_dma2 semaphore(%run_scoped3A : memref<!tpu.dma_semaphore, #tpu.memory_space<semaphore_mem>>) src(%arg9 : memref<128x128xf32, #tpu.memory_space<vmem>>) dst(%dma_wait3A_56 : memref<128x128xf32, #tpu.memory_space<vmem_shared>>)
      tpu.yield
    }) : () -> ()
    %add3A_15 = arith.constant 512 : i32
    %add3A_16 = arith.addi %mul3A_6, %add3A_15 : i32
    "tpu.region"() ({
      %run_scoped3A = tpu.sem_alloc : memref<!tpu.dma_semaphore, #tpu.memory_space<semaphore_mem>>
      %dma_start3A_50 = arith.constant 0 : i32
      %dma_start3A_51 = arith.constant 0 : i32
      %dma_start3A_52 = tpu.memref_slice %arg9[%dma_start3A_50, %dma_start3A_51] : memref<128x128xf32, #tpu.memory_space<vmem>> -> memref<120x128xf32, #tpu.memory_space<vmem>>
      %dma_start3A_53 = arith.constant 0 : i32
      %dma_start3A_54 = tpu.memref_slice %arg11[%add3A_16, %dma_start3A_53] : memref<10112x128xf32, #tpu.memory_space<vmem_shared>> -> memref<120x128xf32, #tpu.memory_space<vmem_shared>>
      %dma_start3A_55 = arith.constant 0 : i32
      %dma_start3A_56 = tpu.memref_slice %arg11[%add3A_16, %dma_start3A_55] : memref<10112x128xf32, #tpu.memory_space<vmem_shared>> -> memref<120x128xf32, #tpu.memory_space<vmem_shared>>
      %dma_start3A_57 = arith.constant 0 : i32
      %dma_start3A_58 = arith.constant 0 : i32
      %dma_start3A_59 = tpu.memref_slice %arg9[%dma_start3A_57, %dma_start3A_58] : memref<128x128xf32, #tpu.memory_space<vmem>> -> memref<120x128xf32, #tpu.memory_space<vmem>>
      tpu.enqueue_dma source(%dma_start3A_59 : memref<120x128xf32, #tpu.memory_space<vmem>>) target(%dma_start3A_56 : memref<120x128xf32, #tpu.memory_space<vmem_shared>>) target_semaphore(%run_scoped3A : memref<!tpu.dma_semaphore, #tpu.memory_space<semaphore_mem>>)
      %dma_wait3A = arith.constant 0 : i32
      %dma_wait3A_60 = arith.constant 0 : i32
      %dma_wait3A_61 = tpu.memref_slice %arg9[%dma_wait3A, %dma_wait3A_60] : memref<128x128xf32, #tpu.memory_space<vmem>> -> memref<120x128xf32, #tpu.memory_space<vmem>>
      %dma_wait3A_62 = arith.constant 0 : i32
      %dma_wait3A_63 = tpu.memref_slice %arg11[%add3A_16, %dma_wait3A_62] : memref<10112x128xf32, #tpu.memory_space<vmem_shared>> -> memref<120x128xf32, #tpu.memory_space<vmem_shared>>
      %dma_wait3A_64 = arith.constant 0 : i32
      %dma_wait3A_65 = tpu.memref_slice %arg11[%add3A_16, %dma_wait3A_64] : memref<10112x128xf32, #tpu.memory_space<vmem_shared>> -> memref<120x128xf32, #tpu.memory_space<vmem_shared>>
      %dma_wait3A_66 = arith.constant 0 : i32
      %dma_wait3A_67 = arith.constant 0 : i32
      %dma_wait3A_68 = tpu.memref_slice %arg9[%dma_wait3A_66, %dma_wait3A_67] : memref<128x128xf32, #tpu.memory_space<vmem>> -> memref<120x128xf32, #tpu.memory_space<vmem>>
      tpu.wait_dma2 semaphore(%run_scoped3A : memref<!tpu.dma_semaphore, #tpu.memory_space<semaphore_mem>>) src(%dma_wait3A_68 : memref<120x128xf32, #tpu.memory_space<vmem>>) dst(%dma_wait3A_65 : memref<120x128xf32, #tpu.memory_space<vmem_shared>>)
      tpu.yield
    }) : () -> ()
    %mul3A_17 = arith.constant 80 : i32
    %mul3A_18 = arith.muli %add3A, %mul3A_17 : i32
    "tpu.region"() ({
      %run_scoped3A = tpu.sem_alloc : memref<!tpu.dma_semaphore, #tpu.memory_space<semaphore_mem>>
      %dma_start3A_50 = arith.constant 0 : i32
      %dma_start3A_51 = tpu.memref_slice %arg2[%mul3A_18, %dma_start3A_50] : memref<2560x128xi32, #tpu.memory_space<hbm>> -> memref<80x128xi32, #tpu.memory_space<hbm>>
      %dma_start3A_52 = arith.constant 0 : i32
      %dma_start3A_53 = tpu.memref_slice %arg2[%mul3A_18, %dma_start3A_52] : memref<2560x128xi32, #tpu.memory_space<hbm>> -> memref<80x128xi32, #tpu.memory_space<hbm>>
      tpu.enqueue_dma source(%dma_start3A_53 : memref<80x128xi32, #tpu.memory_space<hbm>>) target(%arg6 : memref<80x128xi32, #tpu.memory_space<vmem>>) target_semaphore(%run_scoped3A : memref<!tpu.dma_semaphore, #tpu.memory_space<semaphore_mem>>)
      %dma_wait3A = arith.constant 0 : i32
      %dma_wait3A_54 = tpu.memref_slice %arg2[%mul3A_18, %dma_wait3A] : memref<2560x128xi32, #tpu.memory_space<hbm>> -> memref<80x128xi32, #tpu.memory_space<hbm>>
      %dma_wait3A_55 = arith.constant 0 : i32
      %dma_wait3A_56 = tpu.memref_slice %arg2[%mul3A_18, %dma_wait3A_55] : memref<2560x128xi32, #tpu.memory_space<hbm>> -> memref<80x128xi32, #tpu.memory_space<hbm>>
      tpu.wait_dma2 semaphore(%run_scoped3A : memref<!tpu.dma_semaphore, #tpu.memory_space<semaphore_mem>>) src(%dma_wait3A_56 : memref<80x128xi32, #tpu.memory_space<hbm>>) dst(%arg6 : memref<80x128xi32, #tpu.memory_space<vmem>>)
      tpu.yield
    }) : () -> ()
    %barrier3A = arith.constant 0 : index
    tpu.barrier barrier_id(%barrier3A)
    %mul3A_19 = arith.constant 10240 : i32
    %mul3A_20 = arith.muli %add3A, %mul3A_19 : i32
    %add3A_21 = arith.constant 0 : i32
    %add3A_22 = arith.addi %mul3A_20, %add3A_21 : i32
    %dma_start3A = tpu.memref_slice %arg3[%add3A_22] : memref<327680xi32, #tpu.memory_space<hbm>> -> memref<128xi32, #tpu.memory_space<hbm>>
    %dma_start3A_23 = tpu.memref_slice %arg3[%add3A_22] : memref<327680xi32, #tpu.memory_space<hbm>> -> memref<128xi32, #tpu.memory_space<hbm>>
    tpu.enqueue_dma source(%dma_start3A_23 : memref<128xi32, #tpu.memory_space<hbm>>) target(%arg7 : memref<128xi32, #tpu.memory_space<vmem>>) target_semaphore(%arg14 : memref<!tpu.dma_semaphore, #tpu.memory_space<semaphore_mem>>)
    %dma_start3A_24 = arith.constant 0 : i32
    %dma_start3A_25 = arith.constant 0 : i32
    %dma_start3A_26 = tpu.memref_slice %arg6[%dma_start3A_24, %dma_start3A_25] : memref<80x128xi32, #tpu.memory_space<vmem>> -> memref<1x128xi32, #tpu.memory_space<vmem>>
    %dma_start3A_27 = tpu.memref_squeeze %dma_start3A_26 : memref<1x128xi32, #tpu.memory_space<vmem>> -> memref<128xi32, #tpu.memory_space<vmem>>
    %dma_start3A_28 = arith.constant 0 : i32
    %dma_start3A_29 = arith.constant 0 : i32
    %dma_start3A_30 = tpu.memref_slice %arg4[%dma_start3A_28, %dma_start3A_29] : memref<10000x128xf32, #tpu.memory_space<hbm>> -> memref<10000x128xf32, #tpu.memory_space<hbm>>
    tpu.enqueue_indirect_dma source(%dma_start3A_30 : memref<10000x128xf32, #tpu.memory_space<hbm>>) target(%arg9 : memref<128x128xf32, #tpu.memory_space<vmem>>) offsets(%dma_start3A_27 : memref<128xi32, #tpu.memory_space<vmem>>) semaphore(%arg12 : memref<!tpu.dma_semaphore, #tpu.memory_space<semaphore_mem>>)
    %add3A_31 = arith.constant 128 : i32
    %add3A_32 = arith.addi %mul3A_20, %add3A_31 : i32
    %dma_start3A_33 = tpu.memref_slice %arg3[%add3A_32] : memref<327680xi32, #tpu.memory_space<hbm>> -> memref<128xi32, #tpu.memory_space<hbm>>
    %dma_start3A_34 = tpu.memref_slice %arg3[%add3A_32] : memref<327680xi32, #tpu.memory_space<hbm>> -> memref<128xi32, #tpu.memory_space<hbm>>
    tpu.enqueue_dma source(%dma_start3A_34 : memref<128xi32, #tpu.memory_space<hbm>>) target(%arg8 : memref<128xi32, #tpu.memory_space<vmem>>) target_semaphore(%arg15 : memref<!tpu.dma_semaphore, #tpu.memory_space<semaphore_mem>>)
    %dma_start3A_35 = arith.constant 1 : i32
    %dma_start3A_36 = arith.constant 0 : i32
    %dma_start3A_37 = tpu.memref_slice %arg6[%dma_start3A_35, %dma_start3A_36] : memref<80x128xi32, #tpu.memory_space<vmem>> -> memref<1x128xi32, #tpu.memory_space<vmem>>
    %dma_start3A_38 = tpu.memref_squeeze %dma_start3A_37 : memref<1x128xi32, #tpu.memory_space<vmem>> -> memref<128xi32, #tpu.memory_space<vmem>>
    %dma_start3A_39 = arith.constant 0 : i32
    %dma_start3A_40 = arith.constant 0 : i32
    %dma_start3A_41 = tpu.memref_slice %arg4[%dma_start3A_39, %dma_start3A_40] : memref<10000x128xf32, #tpu.memory_space<hbm>> -> memref<10000x128xf32, #tpu.memory_space<hbm>>
    tpu.enqueue_indirect_dma source(%dma_start3A_41 : memref<10000x128xf32, #tpu.memory_space<hbm>>) target(%arg10 : memref<128x128xf32, #tpu.memory_space<vmem>>) offsets(%dma_start3A_38 : memref<128xi32, #tpu.memory_space<vmem>>) semaphore(%arg13 : memref<!tpu.dma_semaphore, #tpu.memory_space<semaphore_mem>>)
    %scan3A_42 = arith.constant 0 : i32
    %scan3A_43 = arith.constant 40 : i32
    %scan3A_44 = arith.addi %scan3A_42, %scan3A_43 : i32
    %scan3A_45 = arith.constant 1 : i32
    scf.for %scan3A_50 = %scan3A_42 to %scan3A_44 step %scan3A_45  : i32 {
      %mul3A_51 = arith.constant 2 : i32
      %mul3A_52 = arith.muli %scan3A_50, %mul3A_51 : i32
      %add3A_53 = arith.constant 0 : i32
      %add3A_54 = arith.addi %mul3A_52, %add3A_53 : i32
      %dma_wait3A = arith.constant 0 : i32
      %dma_wait3A_55 = tpu.memref_slice %arg6[%add3A_54, %dma_wait3A] : memref<80x128xi32, #tpu.memory_space<vmem>> -> memref<1x128xi32, #tpu.memory_space<vmem>>
      %dma_wait3A_56 = tpu.memref_squeeze %dma_wait3A_55 : memref<1x128xi32, #tpu.memory_space<vmem>> -> memref<128xi32, #tpu.memory_space<vmem>>
      %dma_wait3A_57 = arith.constant 0 : i32
      %dma_wait3A_58 = arith.constant 0 : i32
      %dma_wait3A_59 = tpu.memref_slice %arg4[%dma_wait3A_57, %dma_wait3A_58] : memref<10000x128xf32, #tpu.memory_space<hbm>> -> memref<10000x128xf32, #tpu.memory_space<hbm>>
      tpu.wait_indirect_dma semaphore(%arg12 : memref<!tpu.dma_semaphore, #tpu.memory_space<semaphore_mem>>) src(%dma_wait3A_59 : memref<10000x128xf32, #tpu.memory_space<hbm>>) dst(%arg9 : memref<128x128xf32, #tpu.memory_space<vmem>>)
      %dma_wait3A_60 = arith.constant 0 : i32
      %dma_wait3A_61 = tpu.memref_slice %arg3[%dma_wait3A_60] : memref<327680xi32, #tpu.memory_space<hbm>> -> memref<128xi32, #tpu.memory_space<hbm>>
      %dma_wait3A_62 = arith.constant 0 : i32
      %dma_wait3A_63 = tpu.memref_slice %arg3[%dma_wait3A_62] : memref<327680xi32, #tpu.memory_space<hbm>> -> memref<128xi32, #tpu.memory_space<hbm>>
      tpu.wait_dma2 semaphore(%arg14 : memref<!tpu.dma_semaphore, #tpu.memory_space<semaphore_mem>>) src(%dma_wait3A_63 : memref<128xi32, #tpu.memory_space<hbm>>) dst(%arg7 : memref<128xi32, #tpu.memory_space<vmem>>)
      "tpu.region"() ({
        %run_scoped3A = tpu.sem_alloc : memref<!tpu.dma_semaphore, #tpu.memory_space<semaphore_mem>>
        %dma_start3A_89 = arith.constant 0 : i32
        %dma_start3A_90 = arith.constant 0 : i32
        %dma_start3A_91 = tpu.memref_slice %arg11[%dma_start3A_89, %dma_start3A_90] : memref<10112x128xf32, #tpu.memory_space<vmem_shared>> -> memref<10112x128xf32, #tpu.memory_space<vmem_shared>>
        tpu.enqueue_indirect_dma source(%arg9 : memref<128x128xf32, #tpu.memory_space<vmem>>) target(%dma_start3A_91 : memref<10112x128xf32, #tpu.memory_space<vmem_shared>>) offsets(%arg7 : memref<128xi32, #tpu.memory_space<vmem>>) semaphore(%run_scoped3A : memref<!tpu.dma_semaphore, #tpu.memory_space<semaphore_mem>>) {add = true}
        %dma_wait3A_92 = arith.constant 0 : i32
        %dma_wait3A_93 = arith.constant 0 : i32
        %dma_wait3A_94 = tpu.memref_slice %arg11[%dma_wait3A_92, %dma_wait3A_93] : memref<10112x128xf32, #tpu.memory_space<vmem_shared>> -> memref<10112x128xf32, #tpu.memory_space<vmem_shared>>
        tpu.wait_indirect_dma semaphore(%run_scoped3A : memref<!tpu.dma_semaphore, #tpu.memory_space<semaphore_mem>>) src(%arg9 : memref<128x128xf32, #tpu.memory_space<vmem>>) dst(%dma_wait3A_94 : memref<10112x128xf32, #tpu.memory_space<vmem_shared>>)
        tpu.yield
      }) : () -> ()
      %add3A_64 = arith.constant 2 : i32
      %add3A_65 = arith.addi %add3A_54, %add3A_64 : i32
      %lt3A = arith.constant 80 : i32
      %lt3A_66 = arith.cmpi slt, %add3A_65, %lt3A : i32
      %convert_element_type3A = arith.extui %lt3A_66 : i1 to i32
      %cond3A = arith.constant 0 : i32
      %cond3A_67 = arith.cmpi ne, %convert_element_type3A, %cond3A : i32
      scf.if %cond3A_67 {
        %mul3A_89 = arith.constant 128 : i32
        %mul3A_90 = arith.muli %add3A_65, %mul3A_89 : i32
        %add3A_91 = arith.addi %mul3A_20, %mul3A_90 : i32
        %dma_start3A_92 = tpu.memref_slice %arg3[%add3A_91] : memref<327680xi32, #tpu.memory_space<hbm>> -> memref<128xi32, #tpu.memory_space<hbm>>
        %dma_start3A_93 = tpu.memref_slice %arg3[%add3A_91] : memref<327680xi32, #tpu.memory_space<hbm>> -> memref<128xi32, #tpu.memory_space<hbm>>
        tpu.enqueue_dma source(%dma_start3A_93 : memref<128xi32, #tpu.memory_space<hbm>>) target(%arg7 : memref<128xi32, #tpu.memory_space<vmem>>) target_semaphore(%arg14 : memref<!tpu.dma_semaphore, #tpu.memory_space<semaphore_mem>>)
        %dma_start3A_94 = arith.constant 0 : i32
        %dma_start3A_95 = tpu.memref_slice %arg6[%add3A_65, %dma_start3A_94] : memref<80x128xi32, #tpu.memory_space<vmem>> -> memref<1x128xi32, #tpu.memory_space<vmem>>
        %dma_start3A_96 = tpu.memref_squeeze %dma_start3A_95 : memref<1x128xi32, #tpu.memory_space<vmem>> -> memref<128xi32, #tpu.memory_space<vmem>>
        %dma_start3A_97 = arith.constant 0 : i32
        %dma_start3A_98 = arith.constant 0 : i32
        %dma_start3A_99 = tpu.memref_slice %arg4[%dma_start3A_97, %dma_start3A_98] : memref<10000x128xf32, #tpu.memory_space<hbm>> -> memref<10000x128xf32, #tpu.memory_space<hbm>>
        tpu.enqueue_indirect_dma source(%dma_start3A_99 : memref<10000x128xf32, #tpu.memory_space<hbm>>) target(%arg9 : memref<128x128xf32, #tpu.memory_space<vmem>>) offsets(%dma_start3A_96 : memref<128xi32, #tpu.memory_space<vmem>>) semaphore(%arg12 : memref<!tpu.dma_semaphore, #tpu.memory_space<semaphore_mem>>)
      } else {
      }
      %mul3A_68 = arith.constant 2 : i32
      %mul3A_69 = arith.muli %scan3A_50, %mul3A_68 : i32
      %add3A_70 = arith.constant 1 : i32
      %add3A_71 = arith.addi %mul3A_69, %add3A_70 : i32
      %dma_wait3A_72 = arith.constant 0 : i32
      %dma_wait3A_73 = tpu.memref_slice %arg6[%add3A_71, %dma_wait3A_72] : memref<80x128xi32, #tpu.memory_space<vmem>> -> memref<1x128xi32, #tpu.memory_space<vmem>>
      %dma_wait3A_74 = tpu.memref_squeeze %dma_wait3A_73 : memref<1x128xi32, #tpu.memory_space<vmem>> -> memref<128xi32, #tpu.memory_space<vmem>>
      %dma_wait3A_75 = arith.constant 0 : i32
      %dma_wait3A_76 = arith.constant 0 : i32
      %dma_wait3A_77 = tpu.memref_slice %arg4[%dma_wait3A_75, %dma_wait3A_76] : memref<10000x128xf32, #tpu.memory_space<hbm>> -> memref<10000x128xf32, #tpu.memory_space<hbm>>
      tpu.wait_indirect_dma semaphore(%arg13 : memref<!tpu.dma_semaphore, #tpu.memory_space<semaphore_mem>>) src(%dma_wait3A_77 : memref<10000x128xf32, #tpu.memory_space<hbm>>) dst(%arg10 : memref<128x128xf32, #tpu.memory_space<vmem>>)
      %dma_wait3A_78 = arith.constant 0 : i32
      %dma_wait3A_79 = tpu.memref_slice %arg3[%dma_wait3A_78] : memref<327680xi32, #tpu.memory_space<hbm>> -> memref<128xi32, #tpu.memory_space<hbm>>
      %dma_wait3A_80 = arith.constant 0 : i32
      %dma_wait3A_81 = tpu.memref_slice %arg3[%dma_wait3A_80] : memref<327680xi32, #tpu.memory_space<hbm>> -> memref<128xi32, #tpu.memory_space<hbm>>
      tpu.wait_dma2 semaphore(%arg15 : memref<!tpu.dma_semaphore, #tpu.memory_space<semaphore_mem>>) src(%dma_wait3A_81 : memref<128xi32, #tpu.memory_space<hbm>>) dst(%arg8 : memref<128xi32, #tpu.memory_space<vmem>>)
      "tpu.region"() ({
        %run_scoped3A = tpu.sem_alloc : memref<!tpu.dma_semaphore, #tpu.memory_space<semaphore_mem>>
        %dma_start3A_89 = arith.constant 0 : i32
        %dma_start3A_90 = arith.constant 0 : i32
        %dma_start3A_91 = tpu.memref_slice %arg11[%dma_start3A_89, %dma_start3A_90] : memref<10112x128xf32, #tpu.memory_space<vmem_shared>> -> memref<10112x128xf32, #tpu.memory_space<vmem_shared>>
        tpu.enqueue_indirect_dma source(%arg10 : memref<128x128xf32, #tpu.memory_space<vmem>>) target(%dma_start3A_91 : memref<10112x128xf32, #tpu.memory_space<vmem_shared>>) offsets(%arg8 : memref<128xi32, #tpu.memory_space<vmem>>) semaphore(%run_scoped3A : memref<!tpu.dma_semaphore, #tpu.memory_space<semaphore_mem>>) {add = true}
        %dma_wait3A_92 = arith.constant 0 : i32
        %dma_wait3A_93 = arith.constant 0 : i32
        %dma_wait3A_94 = tpu.memref_slice %arg11[%dma_wait3A_92, %dma_wait3A_93] : memref<10112x128xf32, #tpu.memory_space<vmem_shared>> -> memref<10112x128xf32, #tpu.memory_space<vmem_shared>>
        tpu.wait_indirect_dma semaphore(%run_scoped3A : memref<!tpu.dma_semaphore, #tpu.memory_space<semaphore_mem>>) src(%arg10 : memref<128x128xf32, #tpu.memory_space<vmem>>) dst(%dma_wait3A_94 : memref<10112x128xf32, #tpu.memory_space<vmem_shared>>)
        tpu.yield
      }) : () -> ()
      %add3A_82 = arith.constant 2 : i32
      %add3A_83 = arith.addi %add3A_71, %add3A_82 : i32
      %lt3A_84 = arith.constant 80 : i32
      %lt3A_85 = arith.cmpi slt, %add3A_83, %lt3A_84 : i32
      %convert_element_type3A_86 = arith.extui %lt3A_85 : i1 to i32
      %cond3A_87 = arith.constant 0 : i32
      %cond3A_88 = arith.cmpi ne, %convert_element_type3A_86, %cond3A_87 : i32
      scf.if %cond3A_88 {
        %mul3A_89 = arith.constant 128 : i32
        %mul3A_90 = arith.muli %add3A_83, %mul3A_89 : i32
        %add3A_91 = arith.addi %mul3A_20, %mul3A_90 : i32
        %dma_start3A_92 = tpu.memref_slice %arg3[%add3A_91] : memref<327680xi32, #tpu.memory_space<hbm>> -> memref<128xi32, #tpu.memory_space<hbm>>
        %dma_start3A_93 = tpu.memref_slice %arg3[%add3A_91] : memref<327680xi32, #tpu.memory_space<hbm>> -> memref<128xi32, #tpu.memory_space<hbm>>
        tpu.enqueue_dma source(%dma_start3A_93 : memref<128xi32, #tpu.memory_space<hbm>>) target(%arg8 : memref<128xi32, #tpu.memory_space<vmem>>) target_semaphore(%arg15 : memref<!tpu.dma_semaphore, #tpu.memory_space<semaphore_mem>>)
        %dma_start3A_94 = arith.constant 0 : i32
        %dma_start3A_95 = tpu.memref_slice %arg6[%add3A_83, %dma_start3A_94] : memref<80x128xi32, #tpu.memory_space<vmem>> -> memref<1x128xi32, #tpu.memory_space<vmem>>
        %dma_start3A_96 = tpu.memref_squeeze %dma_start3A_95 : memref<1x128xi32, #tpu.memory_space<vmem>> -> memref<128xi32, #tpu.memory_space<vmem>>
        %dma_start3A_97 = arith.constant 0 : i32
        %dma_start3A_98 = arith.constant 0 : i32
        %dma_start3A_99 = tpu.memref_slice %arg4[%dma_start3A_97, %dma_start3A_98] : memref<10000x128xf32, #tpu.memory_space<hbm>> -> memref<10000x128xf32, #tpu.memory_space<hbm>>
        tpu.enqueue_indirect_dma source(%dma_start3A_99 : memref<10000x128xf32, #tpu.memory_space<hbm>>) target(%arg10 : memref<128x128xf32, #tpu.memory_space<vmem>>) offsets(%dma_start3A_96 : memref<128xi32, #tpu.memory_space<vmem>>) semaphore(%arg13 : memref<!tpu.dma_semaphore, #tpu.memory_space<semaphore_mem>>)
      } else {
      }
    }
    %scan3A_46 = arith.constant 40 : i32
    %barrier3A_47 = arith.constant 0 : index
    tpu.barrier barrier_id(%barrier3A_47)
    %mul3A_48 = arith.constant 632 : i32
    %mul3A_49 = arith.muli %arg1, %mul3A_48 : i32
    "tpu.region"() ({
      %run_scoped3A = tpu.sem_alloc : memref<!tpu.dma_semaphore, #tpu.memory_space<semaphore_mem>>
      %dma_start3A_50 = arith.constant 0 : i32
      %dma_start3A_51 = tpu.memref_slice %arg5[%arg0, %mul3A_49, %dma_start3A_50] : memref<2x10112x128xf32, #tpu.memory_space<hbm>> -> memref<1x632x128xf32, #tpu.memory_space<hbm>>
      %dma_start3A_52 = tpu.memref_squeeze %dma_start3A_51 : memref<1x632x128xf32, #tpu.memory_space<hbm>> -> memref<632x128xf32, #tpu.memory_space<hbm>>
      %dma_start3A_53 = arith.constant 0 : i32
      %dma_start3A_54 = tpu.memref_slice %arg11[%mul3A_49, %dma_start3A_53] : memref<10112x128xf32, #tpu.memory_space<vmem_shared>> -> memref<632x128xf32, #tpu.memory_space<vmem_shared>>
      tpu.enqueue_dma source(%dma_start3A_54 : memref<632x128xf32, #tpu.memory_space<vmem_shared>>) target(%dma_start3A_52 : memref<632x128xf32, #tpu.memory_space<hbm>>) target_semaphore(%run_scoped3A : memref<!tpu.dma_semaphore, #tpu.memory_space<semaphore_mem>>)
      %dma_wait3A = arith.constant 0 : i32
      %dma_wait3A_55 = tpu.memref_slice %arg5[%arg0, %mul3A_49, %dma_wait3A] : memref<2x10112x128xf32, #tpu.memory_space<hbm>> -> memref<1x632x128xf32, #tpu.memory_space<hbm>>
      %dma_wait3A_56 = tpu.memref_squeeze %dma_wait3A_55 : memref<1x632x128xf32, #tpu.memory_space<hbm>> -> memref<632x128xf32, #tpu.memory_space<hbm>>
      %dma_wait3A_57 = arith.constant 0 : i32
      %dma_wait3A_58 = tpu.memref_slice %arg11[%mul3A_49, %dma_wait3A_57] : memref<10112x128xf32, #tpu.memory_space<vmem_shared>> -> memref<632x128xf32, #tpu.memory_space<vmem_shared>>
      tpu.wait_dma2 semaphore(%run_scoped3A : memref<!tpu.dma_semaphore, #tpu.memory_space<semaphore_mem>>) src(%dma_wait3A_58 : memref<632x128xf32, #tpu.memory_space<vmem_shared>>) dst(%dma_wait3A_56 : memref<632x128xf32, #tpu.memory_space<hbm>>)
      tpu.yield
    }) : () -> ()
    return
  }
}

#map = affine_map<(d0, d1) -> (0)>
#map1 = affine_map<(d0, d1) -> (0, 0, 0)>
module attributes {stable_mosaic.version = 14 : i64} {
  func.func @_deg_kernel(%arg0: i32, %arg1: i32, %arg2: memref<327680xi32, #tpu.memory_space<hbm>>, %arg3: memref<2x10112x16xf32, #tpu.memory_space<hbm>>, %arg4: memref<128xi32, #tpu.memory_space<vmem>>, %arg5: memref<128x16xf32, #tpu.memory_space<vmem>>, %arg6: memref<10112x16xf32, #tpu.memory_space<vmem_shared>>) attributes {dimension_semantics = [#tpu.dimension_semantics<core_parallel>, #tpu.dimension_semantics<subcore_parallel>], iteration_bounds = array<i64: 2, 16>, scalar_prefetch = 0 : i64, scratch_operands = 3 : i64, tpu.core_type = #tpu.core_type<sc_vector_subcore>, window_params = [{transform_indices = #map}, {transform_indices = #map1}]} {
    %mul3A = arith.constant 2 : i32
    %mul3A_0 = arith.muli %arg1, %mul3A : i32
    %add3A = arith.addi %mul3A_0, %arg0 : i32
    %scan3A = arith.constant 0 : i32
    %scan3A_1 = arith.constant 128 : i32
    %scan3A_2 = arith.addi %scan3A, %scan3A_1 : i32
    %scan3A_3 = arith.constant 1 : i32
    scf.for %scan3A_30 = %scan3A to %scan3A_2 step %scan3A_3  : i32 {
      %broadcast_in_dim3A = arith.constant 0.000000e+00 : f32
      %broadcast_in_dim3A_31 = vector.broadcast %broadcast_in_dim3A : f32 to vector<16xf32>
      %swap3A = arith.index_cast %scan3A_30 : i32 to index
      %swap3A_32 = arith.constant 0 : index
      %swap3A_33 = tpu.vector_load %arg5[%swap3A, %swap3A_32] {strides = array<i32>} : memref<128x16xf32, #tpu.memory_space<vmem>>, vector<1x16xf32>,
      %swap3A_34 = vector.shape_cast %swap3A_33 : vector<1x16xf32> to vector<16xf32>
      %swap3A_35 = vector.shape_cast %broadcast_in_dim3A_31 : vector<16xf32> to vector<1x16xf32>
      tpu.vector_store %arg5[%swap3A, %swap3A_32], %swap3A_35 {strides = array<i32>} : memref<128x16xf32, #tpu.memory_space<vmem>>, vector<1x16xf32>,
    }
    %scan3A_4 = arith.constant 128 : i32
    %mul3A_5 = arith.constant 632 : i32
    %mul3A_6 = arith.muli %arg1, %mul3A_5 : i32
    %add3A_7 = arith.constant 0 : i32
    %add3A_8 = arith.addi %mul3A_6, %add3A_7 : i32
    "tpu.region"() ({
      %run_scoped3A = tpu.sem_alloc : memref<!tpu.dma_semaphore, #tpu.memory_space<semaphore_mem>>
      %dma_start3A = arith.constant 0 : i32
      %dma_start3A_30 = tpu.memref_slice %arg6[%add3A_8, %dma_start3A] : memref<10112x16xf32, #tpu.memory_space<vmem_shared>> -> memref<128x16xf32, #tpu.memory_space<vmem_shared>>
      %dma_start3A_31 = arith.constant 0 : i32
      %dma_start3A_32 = tpu.memref_slice %arg6[%add3A_8, %dma_start3A_31] : memref<10112x16xf32, #tpu.memory_space<vmem_shared>> -> memref<128x16xf32, #tpu.memory_space<vmem_shared>>
      tpu.enqueue_dma source(%arg5 : memref<128x16xf32, #tpu.memory_space<vmem>>) target(%dma_start3A_32 : memref<128x16xf32, #tpu.memory_space<vmem_shared>>) target_semaphore(%run_scoped3A : memref<!tpu.dma_semaphore, #tpu.memory_space<semaphore_mem>>)
      %dma_wait3A = arith.constant 0 : i32
      %dma_wait3A_33 = tpu.memref_slice %arg6[%add3A_8, %dma_wait3A] : memref<10112x16xf32, #tpu.memory_space<vmem_shared>> -> memref<128x16xf32, #tpu.memory_space<vmem_shared>>
      %dma_wait3A_34 = arith.constant 0 : i32
      %dma_wait3A_35 = tpu.memref_slice %arg6[%add3A_8, %dma_wait3A_34] : memref<10112x16xf32, #tpu.memory_space<vmem_shared>> -> memref<128x16xf32, #tpu.memory_space<vmem_shared>>
      tpu.wait_dma2 semaphore(%run_scoped3A : memref<!tpu.dma_semaphore, #tpu.memory_space<semaphore_mem>>) src(%arg5 : memref<128x16xf32, #tpu.memory_space<vmem>>) dst(%dma_wait3A_35 : memref<128x16xf32, #tpu.memory_space<vmem_shared>>)
      tpu.yield
    }) : () -> ()
    %add3A_9 = arith.constant 128 : i32
    %add3A_10 = arith.addi %mul3A_6, %add3A_9 : i32
    "tpu.region"() ({
      %run_scoped3A = tpu.sem_alloc : memref<!tpu.dma_semaphore, #tpu.memory_space<semaphore_mem>>
      %dma_start3A = arith.constant 0 : i32
      %dma_start3A_30 = tpu.memref_slice %arg6[%add3A_10, %dma_start3A] : memref<10112x16xf32, #tpu.memory_space<vmem_shared>> -> memref<128x16xf32, #tpu.memory_space<vmem_shared>>
      %dma_start3A_31 = arith.constant 0 : i32
      %dma_start3A_32 = tpu.memref_slice %arg6[%add3A_10, %dma_start3A_31] : memref<10112x16xf32, #tpu.memory_space<vmem_shared>> -> memref<128x16xf32, #tpu.memory_space<vmem_shared>>
      tpu.enqueue_dma source(%arg5 : memref<128x16xf32, #tpu.memory_space<vmem>>) target(%dma_start3A_32 : memref<128x16xf32, #tpu.memory_space<vmem_shared>>) target_semaphore(%run_scoped3A : memref<!tpu.dma_semaphore, #tpu.memory_space<semaphore_mem>>)
      %dma_wait3A = arith.constant 0 : i32
      %dma_wait3A_33 = tpu.memref_slice %arg6[%add3A_10, %dma_wait3A] : memref<10112x16xf32, #tpu.memory_space<vmem_shared>> -> memref<128x16xf32, #tpu.memory_space<vmem_shared>>
      %dma_wait3A_34 = arith.constant 0 : i32
      %dma_wait3A_35 = tpu.memref_slice %arg6[%add3A_10, %dma_wait3A_34] : memref<10112x16xf32, #tpu.memory_space<vmem_shared>> -> memref<128x16xf32, #tpu.memory_space<vmem_shared>>
      tpu.wait_dma2 semaphore(%run_scoped3A : memref<!tpu.dma_semaphore, #tpu.memory_space<semaphore_mem>>) src(%arg5 : memref<128x16xf32, #tpu.memory_space<vmem>>) dst(%dma_wait3A_35 : memref<128x16xf32, #tpu.memory_space<vmem_shared>>)
      tpu.yield
    }) : () -> ()
    %add3A_11 = arith.constant 256 : i32
    %add3A_12 = arith.addi %mul3A_6, %add3A_11 : i32
    "tpu.region"() ({
      %run_scoped3A = tpu.sem_alloc : memref<!tpu.dma_semaphore, #tpu.memory_space<semaphore_mem>>
      %dma_start3A = arith.constant 0 : i32
      %dma_start3A_30 = tpu.memref_slice %arg6[%add3A_12, %dma_start3A] : memref<10112x16xf32, #tpu.memory_space<vmem_shared>> -> memref<128x16xf32, #tpu.memory_space<vmem_shared>>
      %dma_start3A_31 = arith.constant 0 : i32
      %dma_start3A_32 = tpu.memref_slice %arg6[%add3A_12, %dma_start3A_31] : memref<10112x16xf32, #tpu.memory_space<vmem_shared>> -> memref<128x16xf32, #tpu.memory_space<vmem_shared>>
      tpu.enqueue_dma source(%arg5 : memref<128x16xf32, #tpu.memory_space<vmem>>) target(%dma_start3A_32 : memref<128x16xf32, #tpu.memory_space<vmem_shared>>) target_semaphore(%run_scoped3A : memref<!tpu.dma_semaphore, #tpu.memory_space<semaphore_mem>>)
      %dma_wait3A = arith.constant 0 : i32
      %dma_wait3A_33 = tpu.memref_slice %arg6[%add3A_12, %dma_wait3A] : memref<10112x16xf32, #tpu.memory_space<vmem_shared>> -> memref<128x16xf32, #tpu.memory_space<vmem_shared>>
      %dma_wait3A_34 = arith.constant 0 : i32
      %dma_wait3A_35 = tpu.memref_slice %arg6[%add3A_12, %dma_wait3A_34] : memref<10112x16xf32, #tpu.memory_space<vmem_shared>> -> memref<128x16xf32, #tpu.memory_space<vmem_shared>>
      tpu.wait_dma2 semaphore(%run_scoped3A : memref<!tpu.dma_semaphore, #tpu.memory_space<semaphore_mem>>) src(%arg5 : memref<128x16xf32, #tpu.memory_space<vmem>>) dst(%dma_wait3A_35 : memref<128x16xf32, #tpu.memory_space<vmem_shared>>)
      tpu.yield
    }) : () -> ()
    %add3A_13 = arith.constant 384 : i32
    %add3A_14 = arith.addi %mul3A_6, %add3A_13 : i32
    "tpu.region"() ({
      %run_scoped3A = tpu.sem_alloc : memref<!tpu.dma_semaphore, #tpu.memory_space<semaphore_mem>>
      %dma_start3A = arith.constant 0 : i32
      %dma_start3A_30 = tpu.memref_slice %arg6[%add3A_14, %dma_start3A] : memref<10112x16xf32, #tpu.memory_space<vmem_shared>> -> memref<128x16xf32, #tpu.memory_space<vmem_shared>>
      %dma_start3A_31 = arith.constant 0 : i32
      %dma_start3A_32 = tpu.memref_slice %arg6[%add3A_14, %dma_start3A_31] : memref<10112x16xf32, #tpu.memory_space<vmem_shared>> -> memref<128x16xf32, #tpu.memory_space<vmem_shared>>
      tpu.enqueue_dma source(%arg5 : memref<128x16xf32, #tpu.memory_space<vmem>>) target(%dma_start3A_32 : memref<128x16xf32, #tpu.memory_space<vmem_shared>>) target_semaphore(%run_scoped3A : memref<!tpu.dma_semaphore, #tpu.memory_space<semaphore_mem>>)
      %dma_wait3A = arith.constant 0 : i32
      %dma_wait3A_33 = tpu.memref_slice %arg6[%add3A_14, %dma_wait3A] : memref<10112x16xf32, #tpu.memory_space<vmem_shared>> -> memref<128x16xf32, #tpu.memory_space<vmem_shared>>
      %dma_wait3A_34 = arith.constant 0 : i32
      %dma_wait3A_35 = tpu.memref_slice %arg6[%add3A_14, %dma_wait3A_34] : memref<10112x16xf32, #tpu.memory_space<vmem_shared>> -> memref<128x16xf32, #tpu.memory_space<vmem_shared>>
      tpu.wait_dma2 semaphore(%run_scoped3A : memref<!tpu.dma_semaphore, #tpu.memory_space<semaphore_mem>>) src(%arg5 : memref<128x16xf32, #tpu.memory_space<vmem>>) dst(%dma_wait3A_35 : memref<128x16xf32, #tpu.memory_space<vmem_shared>>)
      tpu.yield
    }) : () -> ()
    %add3A_15 = arith.constant 512 : i32
    %add3A_16 = arith.addi %mul3A_6, %add3A_15 : i32
    "tpu.region"() ({
      %run_scoped3A = tpu.sem_alloc : memref<!tpu.dma_semaphore, #tpu.memory_space<semaphore_mem>>
      %dma_start3A = arith.constant 0 : i32
      %dma_start3A_30 = arith.constant 0 : i32
      %dma_start3A_31 = tpu.memref_slice %arg5[%dma_start3A, %dma_start3A_30] : memref<128x16xf32, #tpu.memory_space<vmem>> -> memref<120x16xf32, #tpu.memory_space<vmem>>
      %dma_start3A_32 = arith.constant 0 : i32
      %dma_start3A_33 = tpu.memref_slice %arg6[%add3A_16, %dma_start3A_32] : memref<10112x16xf32, #tpu.memory_space<vmem_shared>> -> memref<120x16xf32, #tpu.memory_space<vmem_shared>>
      %dma_start3A_34 = arith.constant 0 : i32
      %dma_start3A_35 = tpu.memref_slice %arg6[%add3A_16, %dma_start3A_34] : memref<10112x16xf32, #tpu.memory_space<vmem_shared>> -> memref<120x16xf32, #tpu.memory_space<vmem_shared>>
      %dma_start3A_36 = arith.constant 0 : i32
      %dma_start3A_37 = arith.constant 0 : i32
      %dma_start3A_38 = tpu.memref_slice %arg5[%dma_start3A_36, %dma_start3A_37] : memref<128x16xf32, #tpu.memory_space<vmem>> -> memref<120x16xf32, #tpu.memory_space<vmem>>
      tpu.enqueue_dma source(%dma_start3A_38 : memref<120x16xf32, #tpu.memory_space<vmem>>) target(%dma_start3A_35 : memref<120x16xf32, #tpu.memory_space<vmem_shared>>) target_semaphore(%run_scoped3A : memref<!tpu.dma_semaphore, #tpu.memory_space<semaphore_mem>>)
      %dma_wait3A = arith.constant 0 : i32
      %dma_wait3A_39 = arith.constant 0 : i32
      %dma_wait3A_40 = tpu.memref_slice %arg5[%dma_wait3A, %dma_wait3A_39] : memref<128x16xf32, #tpu.memory_space<vmem>> -> memref<120x16xf32, #tpu.memory_space<vmem>>
      %dma_wait3A_41 = arith.constant 0 : i32
      %dma_wait3A_42 = tpu.memref_slice %arg6[%add3A_16, %dma_wait3A_41] : memref<10112x16xf32, #tpu.memory_space<vmem_shared>> -> memref<120x16xf32, #tpu.memory_space<vmem_shared>>
      %dma_wait3A_43 = arith.constant 0 : i32
      %dma_wait3A_44 = tpu.memref_slice %arg6[%add3A_16, %dma_wait3A_43] : memref<10112x16xf32, #tpu.memory_space<vmem_shared>> -> memref<120x16xf32, #tpu.memory_space<vmem_shared>>
      %dma_wait3A_45 = arith.constant 0 : i32
      %dma_wait3A_46 = arith.constant 0 : i32
      %dma_wait3A_47 = tpu.memref_slice %arg5[%dma_wait3A_45, %dma_wait3A_46] : memref<128x16xf32, #tpu.memory_space<vmem>> -> memref<120x16xf32, #tpu.memory_space<vmem>>
      tpu.wait_dma2 semaphore(%run_scoped3A : memref<!tpu.dma_semaphore, #tpu.memory_space<semaphore_mem>>) src(%dma_wait3A_47 : memref<120x16xf32, #tpu.memory_space<vmem>>) dst(%dma_wait3A_44 : memref<120x16xf32, #tpu.memory_space<vmem_shared>>)
      tpu.yield
    }) : () -> ()
    %scan3A_17 = arith.constant 0 : i32
    %scan3A_18 = arith.constant 128 : i32
    %scan3A_19 = arith.addi %scan3A_17, %scan3A_18 : i32
    %scan3A_20 = arith.constant 1 : i32
    scf.for %scan3A_30 = %scan3A_17 to %scan3A_19 step %scan3A_20  : i32 {
      %broadcast_in_dim3A = arith.constant 1.000000e+00 : f32
      %broadcast_in_dim3A_31 = vector.broadcast %broadcast_in_dim3A : f32 to vector<16xf32>
      %swap3A = arith.index_cast %scan3A_30 : i32 to index
      %swap3A_32 = arith.constant 0 : index
      %swap3A_33 = tpu.vector_load %arg5[%swap3A, %swap3A_32] {strides = array<i32>} : memref<128x16xf32, #tpu.memory_space<vmem>>, vector<1x16xf32>,
      %swap3A_34 = vector.shape_cast %swap3A_33 : vector<1x16xf32> to vector<16xf32>
      %swap3A_35 = vector.shape_cast %broadcast_in_dim3A_31 : vector<16xf32> to vector<1x16xf32>
      tpu.vector_store %arg5[%swap3A, %swap3A_32], %swap3A_35 {strides = array<i32>} : memref<128x16xf32, #tpu.memory_space<vmem>>, vector<1x16xf32>,
    }
    %scan3A_21 = arith.constant 128 : i32
    %barrier3A = arith.constant 0 : index
    tpu.barrier barrier_id(%barrier3A)
    %scan3A_22 = arith.constant 0 : i32
    %scan3A_23 = arith.constant 80 : i32
    %scan3A_24 = arith.addi %scan3A_22, %scan3A_23 : i32
    %scan3A_25 = arith.constant 1 : i32
    scf.for %scan3A_30 = %scan3A_22 to %scan3A_24 step %scan3A_25  : i32 {
      %mul3A_31 = arith.constant 10240 : i32
      %mul3A_32 = arith.muli %add3A, %mul3A_31 : i32
      %mul3A_33 = arith.constant 128 : i32
      %mul3A_34 = arith.muli %scan3A_30, %mul3A_33 : i32
      %add3A_35 = arith.addi %mul3A_32, %mul3A_34 : i32
      "tpu.region"() ({
        %run_scoped3A = tpu.sem_alloc : memref<!tpu.dma_semaphore, #tpu.memory_space<semaphore_mem>>
        %dma_start3A = tpu.memref_slice %arg2[%add3A_35] : memref<327680xi32, #tpu.memory_space<hbm>> -> memref<128xi32, #tpu.memory_space<hbm>>
        %dma_start3A_36 = tpu.memref_slice %arg2[%add3A_35] : memref<327680xi32, #tpu.memory_space<hbm>> -> memref<128xi32, #tpu.memory_space<hbm>>
        tpu.enqueue_dma source(%dma_start3A_36 : memref<128xi32, #tpu.memory_space<hbm>>) target(%arg4 : memref<128xi32, #tpu.memory_space<vmem>>) target_semaphore(%run_scoped3A : memref<!tpu.dma_semaphore, #tpu.memory_space<semaphore_mem>>)
        %dma_wait3A = tpu.memref_slice %arg2[%add3A_35] : memref<327680xi32, #tpu.memory_space<hbm>> -> memref<128xi32, #tpu.memory_space<hbm>>
        %dma_wait3A_37 = tpu.memref_slice %arg2[%add3A_35] : memref<327680xi32, #tpu.memory_space<hbm>> -> memref<128xi32, #tpu.memory_space<hbm>>
        tpu.wait_dma2 semaphore(%run_scoped3A : memref<!tpu.dma_semaphore, #tpu.memory_space<semaphore_mem>>) src(%dma_wait3A_37 : memref<128xi32, #tpu.memory_space<hbm>>) dst(%arg4 : memref<128xi32, #tpu.memory_space<vmem>>)
        tpu.yield
      }) : () -> ()
      "tpu.region"() ({
        %run_scoped3A = tpu.sem_alloc : memref<!tpu.dma_semaphore, #tpu.memory_space<semaphore_mem>>
        %dma_start3A = arith.constant 0 : i32
        %dma_start3A_36 = arith.constant 0 : i32
        %dma_start3A_37 = tpu.memref_slice %arg6[%dma_start3A, %dma_start3A_36] : memref<10112x16xf32, #tpu.memory_space<vmem_shared>> -> memref<10112x16xf32, #tpu.memory_space<vmem_shared>>
        tpu.enqueue_indirect_dma source(%arg5 : memref<128x16xf32, #tpu.memory_space<vmem>>) target(%dma_start3A_37 : memref<10112x16xf32, #tpu.memory_space<vmem_shared>>) offsets(%arg4 : memref<128xi32, #tpu.memory_space<vmem>>) semaphore(%run_scoped3A : memref<!tpu.dma_semaphore, #tpu.memory_space<semaphore_mem>>) {add = true}
        %dma_wait3A = arith.constant 0 : i32
        %dma_wait3A_38 = arith.constant 0 : i32
        %dma_wait3A_39 = tpu.memref_slice %arg6[%dma_wait3A, %dma_wait3A_38] : memref<10112x16xf32, #tpu.memory_space<vmem_shared>> -> memref<10112x16xf32, #tpu.memory_space<vmem_shared>>
        tpu.wait_indirect_dma semaphore(%run_scoped3A : memref<!tpu.dma_semaphore, #tpu.memory_space<semaphore_mem>>) src(%arg5 : memref<128x16xf32, #tpu.memory_space<vmem>>) dst(%dma_wait3A_39 : memref<10112x16xf32, #tpu.memory_space<vmem_shared>>)
        tpu.yield
      }) : () -> ()
    }
    %scan3A_26 = arith.constant 80 : i32
    %barrier3A_27 = arith.constant 0 : index
    tpu.barrier barrier_id(%barrier3A_27)
    %mul3A_28 = arith.constant 632 : i32
    %mul3A_29 = arith.muli %arg1, %mul3A_28 : i32
    "tpu.region"() ({
      %run_scoped3A = tpu.sem_alloc : memref<!tpu.dma_semaphore, #tpu.memory_space<semaphore_mem>>
      %dma_start3A = arith.constant 0 : i32
      %dma_start3A_30 = tpu.memref_slice %arg3[%arg0, %mul3A_29, %dma_start3A] : memref<2x10112x16xf32, #tpu.memory_space<hbm>> -> memref<1x632x16xf32, #tpu.memory_space<hbm>>
      %dma_start3A_31 = tpu.memref_squeeze %dma_start3A_30 : memref<1x632x16xf32, #tpu.memory_space<hbm>> -> memref<632x16xf32, #tpu.memory_space<hbm>>
      %dma_start3A_32 = arith.constant 0 : i32
      %dma_start3A_33 = tpu.memref_slice %arg6[%mul3A_29, %dma_start3A_32] : memref<10112x16xf32, #tpu.memory_space<vmem_shared>> -> memref<632x16xf32, #tpu.memory_space<vmem_shared>>
      tpu.enqueue_dma source(%dma_start3A_33 : memref<632x16xf32, #tpu.memory_space<vmem_shared>>) target(%dma_start3A_31 : memref<632x16xf32, #tpu.memory_space<hbm>>) target_semaphore(%run_scoped3A : memref<!tpu.dma_semaphore, #tpu.memory_space<semaphore_mem>>)
      %dma_wait3A = arith.constant 0 : i32
      %dma_wait3A_34 = tpu.memref_slice %arg3[%arg0, %mul3A_29, %dma_wait3A] : memref<2x10112x16xf32, #tpu.memory_space<hbm>> -> memref<1x632x16xf32, #tpu.memory_space<hbm>>
      %dma_wait3A_35 = tpu.memref_squeeze %dma_wait3A_34 : memref<1x632x16xf32, #tpu.memory_space<hbm>> -> memref<632x16xf32, #tpu.memory_space<hbm>>
      %dma_wait3A_36 = arith.constant 0 : i32
      %dma_wait3A_37 = tpu.memref_slice %arg6[%mul3A_29, %dma_wait3A_36] : memref<10112x16xf32, #tpu.memory_space<vmem_shared>> -> memref<632x16xf32, #tpu.memory_space<vmem_shared>>
      tpu.wait_dma2 semaphore(%run_scoped3A : memref<!tpu.dma_semaphore, #tpu.memory_space<semaphore_mem>>) src(%dma_wait3A_37 : memref<632x16xf32, #tpu.memory_space<vmem_shared>>) dst(%dma_wait3A_35 : memref<632x16xf32, #tpu.memory_space<hbm>>)
      tpu.yield
    }) : () -> ()
    return
  }
}

#map = affine_map<(d0, d1) -> (0, 0)>
#map1 = affine_map<(d0, d1) -> (0)>
#map2 = affine_map<(d0, d1) -> (0, 0, 0)>
module attributes {stable_mosaic.version = 14 : i64} {
  func.func @_scatter_kernel(%arg0: i32, %arg1: i32, %arg2: memref<2560x128xi32, #tpu.memory_space<hbm>>, %arg3: memref<327680xi32, #tpu.memory_space<hbm>>, %arg4: memref<10000x128xf32, #tpu.memory_space<hbm>>, %arg5: memref<2x10112x128xf32, #tpu.memory_space<hbm>>, %arg6: memref<80x128xi32, #tpu.memory_space<vmem>>, %arg7: memref<128xi32, #tpu.memory_space<vmem>>, %arg8: memref<128xi32, #tpu.memory_space<vmem>>, %arg9: memref<128x128xf32, #tpu.memory_space<vmem>>, %arg10: memref<128x128xf32, #tpu.memory_space<vmem>>, %arg11: memref<10112x128xf32, #tpu.memory_space<vmem_shared>>, %arg12: memref<!tpu.dma_semaphore, #tpu.memory_space<semaphore_mem>>, %arg13: memref<!tpu.dma_semaphore, #tpu.memory_space<semaphore_mem>>, %arg14: memref<!tpu.dma_semaphore, #tpu.memory_space<semaphore_mem>>, %arg15: memref<!tpu.dma_semaphore, #tpu.memory_space<semaphore_mem>>) attributes {dimension_semantics = [#tpu.dimension_semantics<core_parallel>, #tpu.dimension_semantics<subcore_parallel>], iteration_bounds = array<i64: 2, 16>, scalar_prefetch = 0 : i64, scratch_operands = 10 : i64, tpu.core_type = #tpu.core_type<sc_vector_subcore>, window_params = [{transform_indices = #map}, {transform_indices = #map1}, {transform_indices = #map}, {transform_indices = #map2}]} {
    %mul3A = arith.constant 2 : i32
    %mul3A_0 = arith.muli %arg1, %mul3A : i32
    %add3A = arith.addi %mul3A_0, %arg0 : i32
    %scan3A = arith.constant 0 : i32
    %scan3A_1 = arith.constant 128 : i32
    %scan3A_2 = arith.addi %scan3A, %scan3A_1 : i32
    %scan3A_3 = arith.constant 1 : i32
    scf.for %scan3A_50 = %scan3A to %scan3A_2 step %scan3A_3  : i32 {
      %broadcast_in_dim3A = arith.constant 0.000000e+00 : f32
      %broadcast_in_dim3A_51 = vector.broadcast %broadcast_in_dim3A : f32 to vector<16xf32>
      %swap3A = arith.index_cast %scan3A_50 : i32 to index
      %swap3A_52 = arith.constant 0 : index
      %swap3A_53 = tpu.vector_load %arg9[%swap3A, %swap3A_52] {strides = array<i32>} : memref<128x128xf32, #tpu.memory_space<vmem>>, vector<1x16xf32>,
      %swap3A_54 = vector.shape_cast %swap3A_53 : vector<1x16xf32> to vector<16xf32>
      %swap3A_55 = vector.shape_cast %broadcast_in_dim3A_51 : vector<16xf32> to vector<1x16xf32>
      tpu.vector_store %arg9[%swap3A, %swap3A_52], %swap3A_55 {strides = array<i32>} : memref<128x128xf32, #tpu.memory_space<vmem>>, vector<1x16xf32>,
      %broadcast_in_dim3A_56 = arith.constant 0.000000e+00 : f32
      %broadcast_in_dim3A_57 = vector.broadcast %broadcast_in_dim3A_56 : f32 to vector<16xf32>
      %swap3A_58 = arith.index_cast %scan3A_50 : i32 to index
      %swap3A_59 = arith.constant 16 : index
      %swap3A_60 = tpu.vector_load %arg9[%swap3A_58, %swap3A_59] {strides = array<i32>} : memref<128x128xf32, #tpu.memory_space<vmem>>, vector<1x16xf32>,
      %swap3A_61 = vector.shape_cast %swap3A_60 : vector<1x16xf32> to vector<16xf32>
      %swap3A_62 = vector.shape_cast %broadcast_in_dim3A_57 : vector<16xf32> to vector<1x16xf32>
      tpu.vector_store %arg9[%swap3A_58, %swap3A_59], %swap3A_62 {strides = array<i32>} : memref<128x128xf32, #tpu.memory_space<vmem>>, vector<1x16xf32>,
      %broadcast_in_dim3A_63 = arith.constant 0.000000e+00 : f32
      %broadcast_in_dim3A_64 = vector.broadcast %broadcast_in_dim3A_63 : f32 to vector<16xf32>
      %swap3A_65 = arith.index_cast %scan3A_50 : i32 to index
      %swap3A_66 = arith.constant 32 : index
      %swap3A_67 = tpu.vector_load %arg9[%swap3A_65, %swap3A_66] {strides = array<i32>} : memref<128x128xf32, #tpu.memory_space<vmem>>, vector<1x16xf32>,
      %swap3A_68 = vector.shape_cast %swap3A_67 : vector<1x16xf32> to vector<16xf32>
      %swap3A_69 = vector.shape_cast %broadcast_in_dim3A_64 : vector<16xf32> to vector<1x16xf32>
      tpu.vector_store %arg9[%swap3A_65, %swap3A_66], %swap3A_69 {strides = array<i32>} : memref<128x128xf32, #tpu.memory_space<vmem>>, vector<1x16xf32>,
      %broadcast_in_dim3A_70 = arith.constant 0.000000e+00 : f32
      %broadcast_in_dim3A_71 = vector.broadcast %broadcast_in_dim3A_70 : f32 to vector<16xf32>
      %swap3A_72 = arith.index_cast %scan3A_50 : i32 to index
      %swap3A_73 = arith.constant 48 : index
      %swap3A_74 = tpu.vector_load %arg9[%swap3A_72, %swap3A_73] {strides = array<i32>} : memref<128x128xf32, #tpu.memory_space<vmem>>, vector<1x16xf32>,
      %swap3A_75 = vector.shape_cast %swap3A_74 : vector<1x16xf32> to vector<16xf32>
      %swap3A_76 = vector.shape_cast %broadcast_in_dim3A_71 : vector<16xf32> to vector<1x16xf32>
      tpu.vector_store %arg9[%swap3A_72, %swap3A_73], %swap3A_76 {strides = array<i32>} : memref<128x128xf32, #tpu.memory_space<vmem>>, vector<1x16xf32>,
      %broadcast_in_dim3A_77 = arith.constant 0.000000e+00 : f32
      %broadcast_in_dim3A_78 = vector.broadcast %broadcast_in_dim3A_77 : f32 to vector<16xf32>
      %swap3A_79 = arith.index_cast %scan3A_50 : i32 to index
      %swap3A_80 = arith.constant 64 : index
      %swap3A_81 = tpu.vector_load %arg9[%swap3A_79, %swap3A_80] {strides = array<i32>} : memref<128x128xf32, #tpu.memory_space<vmem>>, vector<1x16xf32>,
      %swap3A_82 = vector.shape_cast %swap3A_81 : vector<1x16xf32> to vector<16xf32>
      %swap3A_83 = vector.shape_cast %broadcast_in_dim3A_78 : vector<16xf32> to vector<1x16xf32>
      tpu.vector_store %arg9[%swap3A_79, %swap3A_80], %swap3A_83 {strides = array<i32>} : memref<128x128xf32, #tpu.memory_space<vmem>>, vector<1x16xf32>,
      %broadcast_in_dim3A_84 = arith.constant 0.000000e+00 : f32
      %broadcast_in_dim3A_85 = vector.broadcast %broadcast_in_dim3A_84 : f32 to vector<16xf32>
      %swap3A_86 = arith.index_cast %scan3A_50 : i32 to index
      %swap3A_87 = arith.constant 80 : index
      %swap3A_88 = tpu.vector_load %arg9[%swap3A_86, %swap3A_87] {strides = array<i32>} : memref<128x128xf32, #tpu.memory_space<vmem>>, vector<1x16xf32>,
      %swap3A_89 = vector.shape_cast %swap3A_88 : vector<1x16xf32> to vector<16xf32>
      %swap3A_90 = vector.shape_cast %broadcast_in_dim3A_85 : vector<16xf32> to vector<1x16xf32>
      tpu.vector_store %arg9[%swap3A_86, %swap3A_87], %swap3A_90 {strides = array<i32>} : memref<128x128xf32, #tpu.memory_space<vmem>>, vector<1x16xf32>,
      %broadcast_in_dim3A_91 = arith.constant 0.000000e+00 : f32
      %broadcast_in_dim3A_92 = vector.broadcast %broadcast_in_dim3A_91 : f32 to vector<16xf32>
      %swap3A_93 = arith.index_cast %scan3A_50 : i32 to index
      %swap3A_94 = arith.constant 96 : index
      %swap3A_95 = tpu.vector_load %arg9[%swap3A_93, %swap3A_94] {strides = array<i32>} : memref<128x128xf32, #tpu.memory_space<vmem>>, vector<1x16xf32>,
      %swap3A_96 = vector.shape_cast %swap3A_95 : vector<1x16xf32> to vector<16xf32>
      %swap3A_97 = vector.shape_cast %broadcast_in_dim3A_92 : vector<16xf32> to vector<1x16xf32>
      tpu.vector_store %arg9[%swap3A_93, %swap3A_94], %swap3A_97 {strides = array<i32>} : memref<128x128xf32, #tpu.memory_space<vmem>>, vector<1x16xf32>,
      %broadcast_in_dim3A_98 = arith.constant 0.000000e+00 : f32
      %broadcast_in_dim3A_99 = vector.broadcast %broadcast_in_dim3A_98 : f32 to vector<16xf32>
      %swap3A_100 = arith.index_cast %scan3A_50 : i32 to index
      %swap3A_101 = arith.constant 112 : index
      %swap3A_102 = tpu.vector_load %arg9[%swap3A_100, %swap3A_101] {strides = array<i32>} : memref<128x128xf32, #tpu.memory_space<vmem>>, vector<1x16xf32>,
      %swap3A_103 = vector.shape_cast %swap3A_102 : vector<1x16xf32> to vector<16xf32>
      %swap3A_104 = vector.shape_cast %broadcast_in_dim3A_99 : vector<16xf32> to vector<1x16xf32>
      tpu.vector_store %arg9[%swap3A_100, %swap3A_101], %swap3A_104 {strides = array<i32>} : memref<128x128xf32, #tpu.memory_space<vmem>>, vector<1x16xf32>,
    }
    %scan3A_4 = arith.constant 128 : i32
    %mul3A_5 = arith.constant 632 : i32
    %mul3A_6 = arith.muli %arg1, %mul3A_5 : i32
    %add3A_7 = arith.constant 0 : i32
    %add3A_8 = arith.addi %mul3A_6, %add3A_7 : i32
    "tpu.region"() ({
      %run_scoped3A = tpu.sem_alloc : memref<!tpu.dma_semaphore, #tpu.memory_space<semaphore_mem>>
      %dma_start3A_50 = arith.constant 0 : i32
      %dma_start3A_51 = tpu.memref_slice %arg11[%add3A_8, %dma_start3A_50] : memref<10112x128xf32, #tpu.memory_space<vmem_shared>> -> memref<128x128xf32, #tpu.memory_space<vmem_shared>>
      %dma_start3A_52 = arith.constant 0 : i32
      %dma_start3A_53 = tpu.memref_slice %arg11[%add3A_8, %dma_start3A_52] : memref<10112x128xf32, #tpu.memory_space<vmem_shared>> -> memref<128x128xf32, #tpu.memory_space<vmem_shared>>
      tpu.enqueue_dma source(%arg9 : memref<128x128xf32, #tpu.memory_space<vmem>>) target(%dma_start3A_53 : memref<128x128xf32, #tpu.memory_space<vmem_shared>>) target_semaphore(%run_scoped3A : memref<!tpu.dma_semaphore, #tpu.memory_space<semaphore_mem>>)
      %dma_wait3A = arith.constant 0 : i32
      %dma_wait3A_54 = tpu.memref_slice %arg11[%add3A_8, %dma_wait3A] : memref<10112x128xf32, #tpu.memory_space<vmem_shared>> -> memref<128x128xf32, #tpu.memory_space<vmem_shared>>
      %dma_wait3A_55 = arith.constant 0 : i32
      %dma_wait3A_56 = tpu.memref_slice %arg11[%add3A_8, %dma_wait3A_55] : memref<10112x128xf32, #tpu.memory_space<vmem_shared>> -> memref<128x128xf32, #tpu.memory_space<vmem_shared>>
      tpu.wait_dma2 semaphore(%run_scoped3A : memref<!tpu.dma_semaphore, #tpu.memory_space<semaphore_mem>>) src(%arg9 : memref<128x128xf32, #tpu.memory_space<vmem>>) dst(%dma_wait3A_56 : memref<128x128xf32, #tpu.memory_space<vmem_shared>>)
      tpu.yield
    }) : () -> ()
    %add3A_9 = arith.constant 128 : i32
    %add3A_10 = arith.addi %mul3A_6, %add3A_9 : i32
    "tpu.region"() ({
      %run_scoped3A = tpu.sem_alloc : memref<!tpu.dma_semaphore, #tpu.memory_space<semaphore_mem>>
      %dma_start3A_50 = arith.constant 0 : i32
      %dma_start3A_51 = tpu.memref_slice %arg11[%add3A_10, %dma_start3A_50] : memref<10112x128xf32, #tpu.memory_space<vmem_shared>> -> memref<128x128xf32, #tpu.memory_space<vmem_shared>>
      %dma_start3A_52 = arith.constant 0 : i32
      %dma_start3A_53 = tpu.memref_slice %arg11[%add3A_10, %dma_start3A_52] : memref<10112x128xf32, #tpu.memory_space<vmem_shared>> -> memref<128x128xf32, #tpu.memory_space<vmem_shared>>
      tpu.enqueue_dma source(%arg9 : memref<128x128xf32, #tpu.memory_space<vmem>>) target(%dma_start3A_53 : memref<128x128xf32, #tpu.memory_space<vmem_shared>>) target_semaphore(%run_scoped3A : memref<!tpu.dma_semaphore, #tpu.memory_space<semaphore_mem>>)
      %dma_wait3A = arith.constant 0 : i32
      %dma_wait3A_54 = tpu.memref_slice %arg11[%add3A_10, %dma_wait3A] : memref<10112x128xf32, #tpu.memory_space<vmem_shared>> -> memref<128x128xf32, #tpu.memory_space<vmem_shared>>
      %dma_wait3A_55 = arith.constant 0 : i32
      %dma_wait3A_56 = tpu.memref_slice %arg11[%add3A_10, %dma_wait3A_55] : memref<10112x128xf32, #tpu.memory_space<vmem_shared>> -> memref<128x128xf32, #tpu.memory_space<vmem_shared>>
      tpu.wait_dma2 semaphore(%run_scoped3A : memref<!tpu.dma_semaphore, #tpu.memory_space<semaphore_mem>>) src(%arg9 : memref<128x128xf32, #tpu.memory_space<vmem>>) dst(%dma_wait3A_56 : memref<128x128xf32, #tpu.memory_space<vmem_shared>>)
      tpu.yield
    }) : () -> ()
    %add3A_11 = arith.constant 256 : i32
    %add3A_12 = arith.addi %mul3A_6, %add3A_11 : i32
    "tpu.region"() ({
      %run_scoped3A = tpu.sem_alloc : memref<!tpu.dma_semaphore, #tpu.memory_space<semaphore_mem>>
      %dma_start3A_50 = arith.constant 0 : i32
      %dma_start3A_51 = tpu.memref_slice %arg11[%add3A_12, %dma_start3A_50] : memref<10112x128xf32, #tpu.memory_space<vmem_shared>> -> memref<128x128xf32, #tpu.memory_space<vmem_shared>>
      %dma_start3A_52 = arith.constant 0 : i32
      %dma_start3A_53 = tpu.memref_slice %arg11[%add3A_12, %dma_start3A_52] : memref<10112x128xf32, #tpu.memory_space<vmem_shared>> -> memref<128x128xf32, #tpu.memory_space<vmem_shared>>
      tpu.enqueue_dma source(%arg9 : memref<128x128xf32, #tpu.memory_space<vmem>>) target(%dma_start3A_53 : memref<128x128xf32, #tpu.memory_space<vmem_shared>>) target_semaphore(%run_scoped3A : memref<!tpu.dma_semaphore, #tpu.memory_space<semaphore_mem>>)
      %dma_wait3A = arith.constant 0 : i32
      %dma_wait3A_54 = tpu.memref_slice %arg11[%add3A_12, %dma_wait3A] : memref<10112x128xf32, #tpu.memory_space<vmem_shared>> -> memref<128x128xf32, #tpu.memory_space<vmem_shared>>
      %dma_wait3A_55 = arith.constant 0 : i32
      %dma_wait3A_56 = tpu.memref_slice %arg11[%add3A_12, %dma_wait3A_55] : memref<10112x128xf32, #tpu.memory_space<vmem_shared>> -> memref<128x128xf32, #tpu.memory_space<vmem_shared>>
      tpu.wait_dma2 semaphore(%run_scoped3A : memref<!tpu.dma_semaphore, #tpu.memory_space<semaphore_mem>>) src(%arg9 : memref<128x128xf32, #tpu.memory_space<vmem>>) dst(%dma_wait3A_56 : memref<128x128xf32, #tpu.memory_space<vmem_shared>>)
      tpu.yield
    }) : () -> ()
    %add3A_13 = arith.constant 384 : i32
    %add3A_14 = arith.addi %mul3A_6, %add3A_13 : i32
    "tpu.region"() ({
      %run_scoped3A = tpu.sem_alloc : memref<!tpu.dma_semaphore, #tpu.memory_space<semaphore_mem>>
      %dma_start3A_50 = arith.constant 0 : i32
      %dma_start3A_51 = tpu.memref_slice %arg11[%add3A_14, %dma_start3A_50] : memref<10112x128xf32, #tpu.memory_space<vmem_shared>> -> memref<128x128xf32, #tpu.memory_space<vmem_shared>>
      %dma_start3A_52 = arith.constant 0 : i32
      %dma_start3A_53 = tpu.memref_slice %arg11[%add3A_14, %dma_start3A_52] : memref<10112x128xf32, #tpu.memory_space<vmem_shared>> -> memref<128x128xf32, #tpu.memory_space<vmem_shared>>
      tpu.enqueue_dma source(%arg9 : memref<128x128xf32, #tpu.memory_space<vmem>>) target(%dma_start3A_53 : memref<128x128xf32, #tpu.memory_space<vmem_shared>>) target_semaphore(%run_scoped3A : memref<!tpu.dma_semaphore, #tpu.memory_space<semaphore_mem>>)
      %dma_wait3A = arith.constant 0 : i32
      %dma_wait3A_54 = tpu.memref_slice %arg11[%add3A_14, %dma_wait3A] : memref<10112x128xf32, #tpu.memory_space<vmem_shared>> -> memref<128x128xf32, #tpu.memory_space<vmem_shared>>
      %dma_wait3A_55 = arith.constant 0 : i32
      %dma_wait3A_56 = tpu.memref_slice %arg11[%add3A_14, %dma_wait3A_55] : memref<10112x128xf32, #tpu.memory_space<vmem_shared>> -> memref<128x128xf32, #tpu.memory_space<vmem_shared>>
      tpu.wait_dma2 semaphore(%run_scoped3A : memref<!tpu.dma_semaphore, #tpu.memory_space<semaphore_mem>>) src(%arg9 : memref<128x128xf32, #tpu.memory_space<vmem>>) dst(%dma_wait3A_56 : memref<128x128xf32, #tpu.memory_space<vmem_shared>>)
      tpu.yield
    }) : () -> ()
    %add3A_15 = arith.constant 512 : i32
    %add3A_16 = arith.addi %mul3A_6, %add3A_15 : i32
    "tpu.region"() ({
      %run_scoped3A = tpu.sem_alloc : memref<!tpu.dma_semaphore, #tpu.memory_space<semaphore_mem>>
      %dma_start3A_50 = arith.constant 0 : i32
      %dma_start3A_51 = arith.constant 0 : i32
      %dma_start3A_52 = tpu.memref_slice %arg9[%dma_start3A_50, %dma_start3A_51] : memref<128x128xf32, #tpu.memory_space<vmem>> -> memref<120x128xf32, #tpu.memory_space<vmem>>
      %dma_start3A_53 = arith.constant 0 : i32
      %dma_start3A_54 = tpu.memref_slice %arg11[%add3A_16, %dma_start3A_53] : memref<10112x128xf32, #tpu.memory_space<vmem_shared>> -> memref<120x128xf32, #tpu.memory_space<vmem_shared>>
      %dma_start3A_55 = arith.constant 0 : i32
      %dma_start3A_56 = tpu.memref_slice %arg11[%add3A_16, %dma_start3A_55] : memref<10112x128xf32, #tpu.memory_space<vmem_shared>> -> memref<120x128xf32, #tpu.memory_space<vmem_shared>>
      %dma_start3A_57 = arith.constant 0 : i32
      %dma_start3A_58 = arith.constant 0 : i32
      %dma_start3A_59 = tpu.memref_slice %arg9[%dma_start3A_57, %dma_start3A_58] : memref<128x128xf32, #tpu.memory_space<vmem>> -> memref<120x128xf32, #tpu.memory_space<vmem>>
      tpu.enqueue_dma source(%dma_start3A_59 : memref<120x128xf32, #tpu.memory_space<vmem>>) target(%dma_start3A_56 : memref<120x128xf32, #tpu.memory_space<vmem_shared>>) target_semaphore(%run_scoped3A : memref<!tpu.dma_semaphore, #tpu.memory_space<semaphore_mem>>)
      %dma_wait3A = arith.constant 0 : i32
      %dma_wait3A_60 = arith.constant 0 : i32
      %dma_wait3A_61 = tpu.memref_slice %arg9[%dma_wait3A, %dma_wait3A_60] : memref<128x128xf32, #tpu.memory_space<vmem>> -> memref<120x128xf32, #tpu.memory_space<vmem>>
      %dma_wait3A_62 = arith.constant 0 : i32
      %dma_wait3A_63 = tpu.memref_slice %arg11[%add3A_16, %dma_wait3A_62] : memref<10112x128xf32, #tpu.memory_space<vmem_shared>> -> memref<120x128xf32, #tpu.memory_space<vmem_shared>>
      %dma_wait3A_64 = arith.constant 0 : i32
      %dma_wait3A_65 = tpu.memref_slice %arg11[%add3A_16, %dma_wait3A_64] : memref<10112x128xf32, #tpu.memory_space<vmem_shared>> -> memref<120x128xf32, #tpu.memory_space<vmem_shared>>
      %dma_wait3A_66 = arith.constant 0 : i32
      %dma_wait3A_67 = arith.constant 0 : i32
      %dma_wait3A_68 = tpu.memref_slice %arg9[%dma_wait3A_66, %dma_wait3A_67] : memref<128x128xf32, #tpu.memory_space<vmem>> -> memref<120x128xf32, #tpu.memory_space<vmem>>
      tpu.wait_dma2 semaphore(%run_scoped3A : memref<!tpu.dma_semaphore, #tpu.memory_space<semaphore_mem>>) src(%dma_wait3A_68 : memref<120x128xf32, #tpu.memory_space<vmem>>) dst(%dma_wait3A_65 : memref<120x128xf32, #tpu.memory_space<vmem_shared>>)
      tpu.yield
    }) : () -> ()
    %mul3A_17 = arith.constant 80 : i32
    %mul3A_18 = arith.muli %add3A, %mul3A_17 : i32
    "tpu.region"() ({
      %run_scoped3A = tpu.sem_alloc : memref<!tpu.dma_semaphore, #tpu.memory_space<semaphore_mem>>
      %dma_start3A_50 = arith.constant 0 : i32
      %dma_start3A_51 = tpu.memref_slice %arg2[%mul3A_18, %dma_start3A_50] : memref<2560x128xi32, #tpu.memory_space<hbm>> -> memref<80x128xi32, #tpu.memory_space<hbm>>
      %dma_start3A_52 = arith.constant 0 : i32
      %dma_start3A_53 = tpu.memref_slice %arg2[%mul3A_18, %dma_start3A_52] : memref<2560x128xi32, #tpu.memory_space<hbm>> -> memref<80x128xi32, #tpu.memory_space<hbm>>
      tpu.enqueue_dma source(%dma_start3A_53 : memref<80x128xi32, #tpu.memory_space<hbm>>) target(%arg6 : memref<80x128xi32, #tpu.memory_space<vmem>>) target_semaphore(%run_scoped3A : memref<!tpu.dma_semaphore, #tpu.memory_space<semaphore_mem>>)
      %dma_wait3A = arith.constant 0 : i32
      %dma_wait3A_54 = tpu.memref_slice %arg2[%mul3A_18, %dma_wait3A] : memref<2560x128xi32, #tpu.memory_space<hbm>> -> memref<80x128xi32, #tpu.memory_space<hbm>>
      %dma_wait3A_55 = arith.constant 0 : i32
      %dma_wait3A_56 = tpu.memref_slice %arg2[%mul3A_18, %dma_wait3A_55] : memref<2560x128xi32, #tpu.memory_space<hbm>> -> memref<80x128xi32, #tpu.memory_space<hbm>>
      tpu.wait_dma2 semaphore(%run_scoped3A : memref<!tpu.dma_semaphore, #tpu.memory_space<semaphore_mem>>) src(%dma_wait3A_56 : memref<80x128xi32, #tpu.memory_space<hbm>>) dst(%arg6 : memref<80x128xi32, #tpu.memory_space<vmem>>)
      tpu.yield
    }) : () -> ()
    %barrier3A = arith.constant 0 : index
    tpu.barrier barrier_id(%barrier3A)
    %mul3A_19 = arith.constant 10240 : i32
    %mul3A_20 = arith.muli %add3A, %mul3A_19 : i32
    %add3A_21 = arith.constant 0 : i32
    %add3A_22 = arith.addi %mul3A_20, %add3A_21 : i32
    %dma_start3A = tpu.memref_slice %arg3[%add3A_22] : memref<327680xi32, #tpu.memory_space<hbm>> -> memref<128xi32, #tpu.memory_space<hbm>>
    %dma_start3A_23 = tpu.memref_slice %arg3[%add3A_22] : memref<327680xi32, #tpu.memory_space<hbm>> -> memref<128xi32, #tpu.memory_space<hbm>>
    tpu.enqueue_dma source(%dma_start3A_23 : memref<128xi32, #tpu.memory_space<hbm>>) target(%arg7 : memref<128xi32, #tpu.memory_space<vmem>>) target_semaphore(%arg14 : memref<!tpu.dma_semaphore, #tpu.memory_space<semaphore_mem>>)
    %dma_start3A_24 = arith.constant 0 : i32
    %dma_start3A_25 = arith.constant 0 : i32
    %dma_start3A_26 = tpu.memref_slice %arg6[%dma_start3A_24, %dma_start3A_25] : memref<80x128xi32, #tpu.memory_space<vmem>> -> memref<1x128xi32, #tpu.memory_space<vmem>>
    %dma_start3A_27 = tpu.memref_squeeze %dma_start3A_26 : memref<1x128xi32, #tpu.memory_space<vmem>> -> memref<128xi32, #tpu.memory_space<vmem>>
    %dma_start3A_28 = arith.constant 0 : i32
    %dma_start3A_29 = arith.constant 0 : i32
    %dma_start3A_30 = tpu.memref_slice %arg4[%dma_start3A_28, %dma_start3A_29] : memref<10000x128xf32, #tpu.memory_space<hbm>> -> memref<10000x128xf32, #tpu.memory_space<hbm>>
    tpu.enqueue_indirect_dma source(%dma_start3A_30 : memref<10000x128xf32, #tpu.memory_space<hbm>>) target(%arg9 : memref<128x128xf32, #tpu.memory_space<vmem>>) offsets(%dma_start3A_27 : memref<128xi32, #tpu.memory_space<vmem>>) semaphore(%arg12 : memref<!tpu.dma_semaphore, #tpu.memory_space<semaphore_mem>>)
    %add3A_31 = arith.constant 128 : i32
    %add3A_32 = arith.addi %mul3A_20, %add3A_31 : i32
    %dma_start3A_33 = tpu.memref_slice %arg3[%add3A_32] : memref<327680xi32, #tpu.memory_space<hbm>> -> memref<128xi32, #tpu.memory_space<hbm>>
    %dma_start3A_34 = tpu.memref_slice %arg3[%add3A_32] : memref<327680xi32, #tpu.memory_space<hbm>> -> memref<128xi32, #tpu.memory_space<hbm>>
    tpu.enqueue_dma source(%dma_start3A_34 : memref<128xi32, #tpu.memory_space<hbm>>) target(%arg8 : memref<128xi32, #tpu.memory_space<vmem>>) target_semaphore(%arg15 : memref<!tpu.dma_semaphore, #tpu.memory_space<semaphore_mem>>)
    %dma_start3A_35 = arith.constant 1 : i32
    %dma_start3A_36 = arith.constant 0 : i32
    %dma_start3A_37 = tpu.memref_slice %arg6[%dma_start3A_35, %dma_start3A_36] : memref<80x128xi32, #tpu.memory_space<vmem>> -> memref<1x128xi32, #tpu.memory_space<vmem>>
    %dma_start3A_38 = tpu.memref_squeeze %dma_start3A_37 : memref<1x128xi32, #tpu.memory_space<vmem>> -> memref<128xi32, #tpu.memory_space<vmem>>
    %dma_start3A_39 = arith.constant 0 : i32
    %dma_start3A_40 = arith.constant 0 : i32
    %dma_start3A_41 = tpu.memref_slice %arg4[%dma_start3A_39, %dma_start3A_40] : memref<10000x128xf32, #tpu.memory_space<hbm>> -> memref<10000x128xf32, #tpu.memory_space<hbm>>
    tpu.enqueue_indirect_dma source(%dma_start3A_41 : memref<10000x128xf32, #tpu.memory_space<hbm>>) target(%arg10 : memref<128x128xf32, #tpu.memory_space<vmem>>) offsets(%dma_start3A_38 : memref<128xi32, #tpu.memory_space<vmem>>) semaphore(%arg13 : memref<!tpu.dma_semaphore, #tpu.memory_space<semaphore_mem>>)
    %scan3A_42 = arith.constant 0 : i32
    %scan3A_43 = arith.constant 40 : i32
    %scan3A_44 = arith.addi %scan3A_42, %scan3A_43 : i32
    %scan3A_45 = arith.constant 1 : i32
    scf.for %scan3A_50 = %scan3A_42 to %scan3A_44 step %scan3A_45  : i32 {
      %mul3A_51 = arith.constant 2 : i32
      %mul3A_52 = arith.muli %scan3A_50, %mul3A_51 : i32
      %add3A_53 = arith.constant 0 : i32
      %add3A_54 = arith.addi %mul3A_52, %add3A_53 : i32
      %dma_wait3A = arith.constant 0 : i32
      %dma_wait3A_55 = tpu.memref_slice %arg6[%add3A_54, %dma_wait3A] : memref<80x128xi32, #tpu.memory_space<vmem>> -> memref<1x128xi32, #tpu.memory_space<vmem>>
      %dma_wait3A_56 = tpu.memref_squeeze %dma_wait3A_55 : memref<1x128xi32, #tpu.memory_space<vmem>> -> memref<128xi32, #tpu.memory_space<vmem>>
      %dma_wait3A_57 = arith.constant 0 : i32
      %dma_wait3A_58 = arith.constant 0 : i32
      %dma_wait3A_59 = tpu.memref_slice %arg4[%dma_wait3A_57, %dma_wait3A_58] : memref<10000x128xf32, #tpu.memory_space<hbm>> -> memref<10000x128xf32, #tpu.memory_space<hbm>>
      tpu.wait_indirect_dma semaphore(%arg12 : memref<!tpu.dma_semaphore, #tpu.memory_space<semaphore_mem>>) src(%dma_wait3A_59 : memref<10000x128xf32, #tpu.memory_space<hbm>>) dst(%arg9 : memref<128x128xf32, #tpu.memory_space<vmem>>)
      %dma_wait3A_60 = arith.constant 0 : i32
      %dma_wait3A_61 = tpu.memref_slice %arg3[%dma_wait3A_60] : memref<327680xi32, #tpu.memory_space<hbm>> -> memref<128xi32, #tpu.memory_space<hbm>>
      %dma_wait3A_62 = arith.constant 0 : i32
      %dma_wait3A_63 = tpu.memref_slice %arg3[%dma_wait3A_62] : memref<327680xi32, #tpu.memory_space<hbm>> -> memref<128xi32, #tpu.memory_space<hbm>>
      tpu.wait_dma2 semaphore(%arg14 : memref<!tpu.dma_semaphore, #tpu.memory_space<semaphore_mem>>) src(%dma_wait3A_63 : memref<128xi32, #tpu.memory_space<hbm>>) dst(%arg7 : memref<128xi32, #tpu.memory_space<vmem>>)
      "tpu.region"() ({
        %run_scoped3A = tpu.sem_alloc : memref<!tpu.dma_semaphore, #tpu.memory_space<semaphore_mem>>
        %dma_start3A_89 = arith.constant 0 : i32
        %dma_start3A_90 = arith.constant 0 : i32
        %dma_start3A_91 = tpu.memref_slice %arg11[%dma_start3A_89, %dma_start3A_90] : memref<10112x128xf32, #tpu.memory_space<vmem_shared>> -> memref<10112x128xf32, #tpu.memory_space<vmem_shared>>
        tpu.enqueue_indirect_dma source(%arg9 : memref<128x128xf32, #tpu.memory_space<vmem>>) target(%dma_start3A_91 : memref<10112x128xf32, #tpu.memory_space<vmem_shared>>) offsets(%arg7 : memref<128xi32, #tpu.memory_space<vmem>>) semaphore(%run_scoped3A : memref<!tpu.dma_semaphore, #tpu.memory_space<semaphore_mem>>) {add = true}
        %dma_wait3A_92 = arith.constant 0 : i32
        %dma_wait3A_93 = arith.constant 0 : i32
        %dma_wait3A_94 = tpu.memref_slice %arg11[%dma_wait3A_92, %dma_wait3A_93] : memref<10112x128xf32, #tpu.memory_space<vmem_shared>> -> memref<10112x128xf32, #tpu.memory_space<vmem_shared>>
        tpu.wait_indirect_dma semaphore(%run_scoped3A : memref<!tpu.dma_semaphore, #tpu.memory_space<semaphore_mem>>) src(%arg9 : memref<128x128xf32, #tpu.memory_space<vmem>>) dst(%dma_wait3A_94 : memref<10112x128xf32, #tpu.memory_space<vmem_shared>>)
        tpu.yield
      }) : () -> ()
      %add3A_64 = arith.constant 2 : i32
      %add3A_65 = arith.addi %add3A_54, %add3A_64 : i32
      %lt3A = arith.constant 80 : i32
      %lt3A_66 = arith.cmpi slt, %add3A_65, %lt3A : i32
      %convert_element_type3A = arith.extui %lt3A_66 : i1 to i32
      %cond3A = arith.constant 0 : i32
      %cond3A_67 = arith.cmpi ne, %convert_element_type3A, %cond3A : i32
      scf.if %cond3A_67 {
        %mul3A_89 = arith.constant 128 : i32
        %mul3A_90 = arith.muli %add3A_65, %mul3A_89 : i32
        %add3A_91 = arith.addi %mul3A_20, %mul3A_90 : i32
        %dma_start3A_92 = tpu.memref_slice %arg3[%add3A_91] : memref<327680xi32, #tpu.memory_space<hbm>> -> memref<128xi32, #tpu.memory_space<hbm>>
        %dma_start3A_93 = tpu.memref_slice %arg3[%add3A_91] : memref<327680xi32, #tpu.memory_space<hbm>> -> memref<128xi32, #tpu.memory_space<hbm>>
        tpu.enqueue_dma source(%dma_start3A_93 : memref<128xi32, #tpu.memory_space<hbm>>) target(%arg7 : memref<128xi32, #tpu.memory_space<vmem>>) target_semaphore(%arg14 : memref<!tpu.dma_semaphore, #tpu.memory_space<semaphore_mem>>)
        %dma_start3A_94 = arith.constant 0 : i32
        %dma_start3A_95 = tpu.memref_slice %arg6[%add3A_65, %dma_start3A_94] : memref<80x128xi32, #tpu.memory_space<vmem>> -> memref<1x128xi32, #tpu.memory_space<vmem>>
        %dma_start3A_96 = tpu.memref_squeeze %dma_start3A_95 : memref<1x128xi32, #tpu.memory_space<vmem>> -> memref<128xi32, #tpu.memory_space<vmem>>
        %dma_start3A_97 = arith.constant 0 : i32
        %dma_start3A_98 = arith.constant 0 : i32
        %dma_start3A_99 = tpu.memref_slice %arg4[%dma_start3A_97, %dma_start3A_98] : memref<10000x128xf32, #tpu.memory_space<hbm>> -> memref<10000x128xf32, #tpu.memory_space<hbm>>
        tpu.enqueue_indirect_dma source(%dma_start3A_99 : memref<10000x128xf32, #tpu.memory_space<hbm>>) target(%arg9 : memref<128x128xf32, #tpu.memory_space<vmem>>) offsets(%dma_start3A_96 : memref<128xi32, #tpu.memory_space<vmem>>) semaphore(%arg12 : memref<!tpu.dma_semaphore, #tpu.memory_space<semaphore_mem>>)
      } else {
      }
      %mul3A_68 = arith.constant 2 : i32
      %mul3A_69 = arith.muli %scan3A_50, %mul3A_68 : i32
      %add3A_70 = arith.constant 1 : i32
      %add3A_71 = arith.addi %mul3A_69, %add3A_70 : i32
      %dma_wait3A_72 = arith.constant 0 : i32
      %dma_wait3A_73 = tpu.memref_slice %arg6[%add3A_71, %dma_wait3A_72] : memref<80x128xi32, #tpu.memory_space<vmem>> -> memref<1x128xi32, #tpu.memory_space<vmem>>
      %dma_wait3A_74 = tpu.memref_squeeze %dma_wait3A_73 : memref<1x128xi32, #tpu.memory_space<vmem>> -> memref<128xi32, #tpu.memory_space<vmem>>
      %dma_wait3A_75 = arith.constant 0 : i32
      %dma_wait3A_76 = arith.constant 0 : i32
      %dma_wait3A_77 = tpu.memref_slice %arg4[%dma_wait3A_75, %dma_wait3A_76] : memref<10000x128xf32, #tpu.memory_space<hbm>> -> memref<10000x128xf32, #tpu.memory_space<hbm>>
      tpu.wait_indirect_dma semaphore(%arg13 : memref<!tpu.dma_semaphore, #tpu.memory_space<semaphore_mem>>) src(%dma_wait3A_77 : memref<10000x128xf32, #tpu.memory_space<hbm>>) dst(%arg10 : memref<128x128xf32, #tpu.memory_space<vmem>>)
      %dma_wait3A_78 = arith.constant 0 : i32
      %dma_wait3A_79 = tpu.memref_slice %arg3[%dma_wait3A_78] : memref<327680xi32, #tpu.memory_space<hbm>> -> memref<128xi32, #tpu.memory_space<hbm>>
      %dma_wait3A_80 = arith.constant 0 : i32
      %dma_wait3A_81 = tpu.memref_slice %arg3[%dma_wait3A_80] : memref<327680xi32, #tpu.memory_space<hbm>> -> memref<128xi32, #tpu.memory_space<hbm>>
      tpu.wait_dma2 semaphore(%arg15 : memref<!tpu.dma_semaphore, #tpu.memory_space<semaphore_mem>>) src(%dma_wait3A_81 : memref<128xi32, #tpu.memory_space<hbm>>) dst(%arg8 : memref<128xi32, #tpu.memory_space<vmem>>)
      "tpu.region"() ({
        %run_scoped3A = tpu.sem_alloc : memref<!tpu.dma_semaphore, #tpu.memory_space<semaphore_mem>>
        %dma_start3A_89 = arith.constant 0 : i32
        %dma_start3A_90 = arith.constant 0 : i32
        %dma_start3A_91 = tpu.memref_slice %arg11[%dma_start3A_89, %dma_start3A_90] : memref<10112x128xf32, #tpu.memory_space<vmem_shared>> -> memref<10112x128xf32, #tpu.memory_space<vmem_shared>>
        tpu.enqueue_indirect_dma source(%arg10 : memref<128x128xf32, #tpu.memory_space<vmem>>) target(%dma_start3A_91 : memref<10112x128xf32, #tpu.memory_space<vmem_shared>>) offsets(%arg8 : memref<128xi32, #tpu.memory_space<vmem>>) semaphore(%run_scoped3A : memref<!tpu.dma_semaphore, #tpu.memory_space<semaphore_mem>>) {add = true}
        %dma_wait3A_92 = arith.constant 0 : i32
        %dma_wait3A_93 = arith.constant 0 : i32
        %dma_wait3A_94 = tpu.memref_slice %arg11[%dma_wait3A_92, %dma_wait3A_93] : memref<10112x128xf32, #tpu.memory_space<vmem_shared>> -> memref<10112x128xf32, #tpu.memory_space<vmem_shared>>
        tpu.wait_indirect_dma semaphore(%run_scoped3A : memref<!tpu.dma_semaphore, #tpu.memory_space<semaphore_mem>>) src(%arg10 : memref<128x128xf32, #tpu.memory_space<vmem>>) dst(%dma_wait3A_94 : memref<10112x128xf32, #tpu.memory_space<vmem_shared>>)
        tpu.yield
      }) : () -> ()
      %add3A_82 = arith.constant 2 : i32
      %add3A_83 = arith.addi %add3A_71, %add3A_82 : i32
      %lt3A_84 = arith.constant 80 : i32
      %lt3A_85 = arith.cmpi slt, %add3A_83, %lt3A_84 : i32
      %convert_element_type3A_86 = arith.extui %lt3A_85 : i1 to i32
      %cond3A_87 = arith.constant 0 : i32
      %cond3A_88 = arith.cmpi ne, %convert_element_type3A_86, %cond3A_87 : i32
      scf.if %cond3A_88 {
        %mul3A_89 = arith.constant 128 : i32
        %mul3A_90 = arith.muli %add3A_83, %mul3A_89 : i32
        %add3A_91 = arith.addi %mul3A_20, %mul3A_90 : i32
        %dma_start3A_92 = tpu.memref_slice %arg3[%add3A_91] : memref<327680xi32, #tpu.memory_space<hbm>> -> memref<128xi32, #tpu.memory_space<hbm>>
        %dma_start3A_93 = tpu.memref_slice %arg3[%add3A_91] : memref<327680xi32, #tpu.memory_space<hbm>> -> memref<128xi32, #tpu.memory_space<hbm>>
        tpu.enqueue_dma source(%dma_start3A_93 : memref<128xi32, #tpu.memory_space<hbm>>) target(%arg8 : memref<128xi32, #tpu.memory_space<vmem>>) target_semaphore(%arg15 : memref<!tpu.dma_semaphore, #tpu.memory_space<semaphore_mem>>)
        %dma_start3A_94 = arith.constant 0 : i32
        %dma_start3A_95 = tpu.memref_slice %arg6[%add3A_83, %dma_start3A_94] : memref<80x128xi32, #tpu.memory_space<vmem>> -> memref<1x128xi32, #tpu.memory_space<vmem>>
        %dma_start3A_96 = tpu.memref_squeeze %dma_start3A_95 : memref<1x128xi32, #tpu.memory_space<vmem>> -> memref<128xi32, #tpu.memory_space<vmem>>
        %dma_start3A_97 = arith.constant 0 : i32
        %dma_start3A_98 = arith.constant 0 : i32
        %dma_start3A_99 = tpu.memref_slice %arg4[%dma_start3A_97, %dma_start3A_98] : memref<10000x128xf32, #tpu.memory_space<hbm>> -> memref<10000x128xf32, #tpu.memory_space<hbm>>
        tpu.enqueue_indirect_dma source(%dma_start3A_99 : memref<10000x128xf32, #tpu.memory_space<hbm>>) target(%arg10 : memref<128x128xf32, #tpu.memory_space<vmem>>) offsets(%dma_start3A_96 : memref<128xi32, #tpu.memory_space<vmem>>) semaphore(%arg13 : memref<!tpu.dma_semaphore, #tpu.memory_space<semaphore_mem>>)
      } else {
      }
    }
    %scan3A_46 = arith.constant 40 : i32
    %barrier3A_47 = arith.constant 0 : index
    tpu.barrier barrier_id(%barrier3A_47)
    %mul3A_48 = arith.constant 632 : i32
    %mul3A_49 = arith.muli %arg1, %mul3A_48 : i32
    "tpu.region"() ({
      %run_scoped3A = tpu.sem_alloc : memref<!tpu.dma_semaphore, #tpu.memory_space<semaphore_mem>>
      %dma_start3A_50 = arith.constant 0 : i32
      %dma_start3A_51 = tpu.memref_slice %arg5[%arg0, %mul3A_49, %dma_start3A_50] : memref<2x10112x128xf32, #tpu.memory_space<hbm>> -> memref<1x632x128xf32, #tpu.memory_space<hbm>>
      %dma_start3A_52 = tpu.memref_squeeze %dma_start3A_51 : memref<1x632x128xf32, #tpu.memory_space<hbm>> -> memref<632x128xf32, #tpu.memory_space<hbm>>
      %dma_start3A_53 = arith.constant 0 : i32
      %dma_start3A_54 = tpu.memref_slice %arg11[%mul3A_49, %dma_start3A_53] : memref<10112x128xf32, #tpu.memory_space<vmem_shared>> -> memref<632x128xf32, #tpu.memory_space<vmem_shared>>
      tpu.enqueue_dma source(%dma_start3A_54 : memref<632x128xf32, #tpu.memory_space<vmem_shared>>) target(%dma_start3A_52 : memref<632x128xf32, #tpu.memory_space<hbm>>) target_semaphore(%run_scoped3A : memref<!tpu.dma_semaphore, #tpu.memory_space<semaphore_mem>>)
      %dma_wait3A = arith.constant 0 : i32
      %dma_wait3A_55 = tpu.memref_slice %arg5[%arg0, %mul3A_49, %dma_wait3A] : memref<2x10112x128xf32, #tpu.memory_space<hbm>> -> memref<1x632x128xf32, #tpu.memory_space<hbm>>
      %dma_wait3A_56 = tpu.memref_squeeze %dma_wait3A_55 : memref<1x632x128xf32, #tpu.memory_space<hbm>> -> memref<632x128xf32, #tpu.memory_space<hbm>>
      %dma_wait3A_57 = arith.constant 0 : i32
      %dma_wait3A_58 = tpu.memref_slice %arg11[%mul3A_49, %dma_wait3A_57] : memref<10112x128xf32, #tpu.memory_space<vmem_shared>> -> memref<632x128xf32, #tpu.memory_space<vmem_shared>>
      tpu.wait_dma2 semaphore(%run_scoped3A : memref<!tpu.dma_semaphore, #tpu.memory_space<semaphore_mem>>) src(%dma_wait3A_58 : memref<632x128xf32, #tpu.memory_space<vmem_shared>>) dst(%dma_wait3A_56 : memref<632x128xf32, #tpu.memory_space<hbm>>)
      tpu.yield
    }) : () -> ()
    return
  }
}

module attributes {stable_mosaic.version = 14 : i64} {
  func.func @_p1_body(%arg0: i32, %arg1: memref<1000x128xf32, #tpu.memory_space<vmem>>, %arg2: memref<128x128xf32, #tpu.memory_space<vmem>>, %arg3: memref<1000x16xf32, #tpu.memory_space<vmem>>, %arg4: memref<1000x16xf32, #tpu.memory_space<vmem>>, %arg5: memref<1000x128xf32, #tpu.memory_space<vmem>>, %arg6: memref<1000x16xf32, #tpu.memory_space<vmem>>) attributes {dimension_semantics = [#tpu.dimension_semantics<arbitrary>], iteration_bounds = array<i64: 10>, scalar_prefetch = 0 : i64, scratch_operands = 0 : i64, tpu.core_type = #tpu.core_type<tc>, window_params = [{transform_indices = @transform_0, window_bounds = array<i64: 1000, 128>}, {pipeline_mode = #tpu.pipeline_mode<synchronous>, transform_indices = @transform_1, window_bounds = array<i64: 128, 128>}, {transform_indices = @transform_2, window_bounds = array<i64: 1000, 16>}, {transform_indices = @transform_3, window_bounds = array<i64: 1000, 16>}, {transform_indices = @transform_4, window_bounds = array<i64: 1000, 128>}, {transform_indices = @transform_5, window_bounds = array<i64: 1000, 16>}]} {
    %get3A = arith.constant 0 : index
    %get3A_0 = arith.constant 0 : index
    %get3A_1 = vector.load %arg3[%get3A, %get3A_0] : memref<1000x16xf32, #tpu.memory_space<vmem>>, vector<1000x1xf32>
    %get3A_2 = arith.constant 0 : index
    %get3A_3 = arith.constant 0 : index
    %get3A_4 = vector.load %arg4[%get3A_2, %get3A_3] : memref<1000x16xf32, #tpu.memory_space<vmem>>, vector<1000x1xf32>
    %add3A = arith.addf %get3A_1, %get3A_4 : vector<1000x1xf32>
    %add3A_5 = arith.constant 1.000000e+00 : f32
    %add3A_6 = vector.broadcast %add3A_5 : f32 to vector<1000x1xf32>
    %add3A_7 = arith.addf %add3A, %add3A_6 : vector<1000x1xf32>
    %rsqrt3A = math.rsqrt %add3A_7 : vector<1000x1xf32>
    %get3A_8 = arith.constant 0 : index
    %get3A_9 = arith.constant 0 : index
    %get3A_10 = vector.load %arg1[%get3A_8, %get3A_9] : memref<1000x128xf32, #tpu.memory_space<vmem>>, vector<1000x128xf32>
    %get3A_11 = arith.constant 0 : index
    %get3A_12 = arith.constant 0 : index
    %get3A_13 = vector.load %arg2[%get3A_11, %get3A_12] : memref<128x128xf32, #tpu.memory_space<vmem>>, vector<128x128xf32>
    %dot_general3A = arith.constant dense<0.000000e+00> : vector<1000x128xf32>
    %dot_general3A_14 = tpu.matmul %get3A_10, %get3A_13, %dot_general3A {dimension_numbers = #tpu.dot_dimension_numbers<[1], [0], [0], [1], [0, 0, 1, 1], [], []>, transpose_lhs_hint = false} : vector<1000x128xf32>, vector<128x128xf32>, vector<1000x128xf32> -> vector<1000x128xf32>
    %mul3A = vector.broadcast %rsqrt3A : vector<1000x1xf32> to vector<1000x128xf32>
    %mul3A_15 = arith.mulf %dot_general3A_14, %mul3A : vector<1000x128xf32>
    %swap3A = arith.constant 0 : index
    %swap3A_16 = arith.constant 0 : index
    %swap3A_17 = vector.load %arg5[%swap3A, %swap3A_16] : memref<1000x128xf32, #tpu.memory_space<vmem>>, vector<1000x128xf32>
    tpu.vector_store %arg5[%swap3A, %swap3A_16], %mul3A_15 {strides = array<i32>} : memref<1000x128xf32, #tpu.memory_space<vmem>>, vector<1000x128xf32>,
    %broadcast_in_dim3A = vector.shape_cast %rsqrt3A : vector<1000x1xf32> to vector<1000x1xf32>
    %broadcast_in_dim3A_18 = vector.broadcast %broadcast_in_dim3A : vector<1000x1xf32> to vector<1000x16xf32>
    %swap3A_19 = arith.constant 0 : index
    %swap3A_20 = arith.constant 0 : index
    %swap3A_21 = vector.load %arg6[%swap3A_19, %swap3A_20] : memref<1000x16xf32, #tpu.memory_space<vmem>>, vector<1000x16xf32>
    tpu.vector_store %arg6[%swap3A_19, %swap3A_20], %broadcast_in_dim3A_18 {strides = array<i32>} : memref<1000x16xf32, #tpu.memory_space<vmem>>, vector<1000x16xf32>,
    return
  }
  func.func @transform_0(%arg0: i32) -> (i32, i32) {
    %c0_i32 = arith.constant 0 : i32
    %c0_i32_0 = arith.constant 0 : i32
    return %arg0, %c0_i32 : i32, i32
  }
  func.func @transform_1(%arg0: i32) -> (i32, i32) {
    %c0_i32 = arith.constant 0 : i32
    %c0_i32_0 = arith.constant 0 : i32
    %c0_i32_1 = arith.constant 0 : i32
    return %c0_i32, %c0_i32_0 : i32, i32
  }
  func.func @transform_2(%arg0: i32) -> (i32, i32) {
    %c0_i32 = arith.constant 0 : i32
    %c0_i32_0 = arith.constant 0 : i32
    return %arg0, %c0_i32 : i32, i32
  }
  func.func @transform_3(%arg0: i32) -> (i32, i32) {
    %c0_i32 = arith.constant 0 : i32
    %c0_i32_0 = arith.constant 0 : i32
    return %arg0, %c0_i32 : i32, i32
  }
  func.func @transform_4(%arg0: i32) -> (i32, i32) {
    %c0_i32 = arith.constant 0 : i32
    %c0_i32_0 = arith.constant 0 : i32
    return %arg0, %c0_i32 : i32, i32
  }
  func.func @transform_5(%arg0: i32) -> (i32, i32) {
    %c0_i32 = arith.constant 0 : i32
    %c0_i32_0 = arith.constant 0 : i32
    return %arg0, %c0_i32 : i32, i32
  }
}

module attributes {stable_mosaic.version = 14 : i64} {
  func.func @_p2_body(%arg0: i32, %arg1: memref<1000x128xf32, #tpu.memory_space<vmem>>, %arg2: memref<1000x128xf32, #tpu.memory_space<vmem>>, %arg3: memref<1000x128xf32, #tpu.memory_space<vmem>>, %arg4: memref<1000x16xf32, #tpu.memory_space<vmem>>, %arg5: memref<128x128xf32, #tpu.memory_space<vmem>>, %arg6: memref<1x128xf32, #tpu.memory_space<vmem>>, %arg7: memref<1000x128xf32, #tpu.memory_space<vmem>>) attributes {dimension_semantics = [#tpu.dimension_semantics<arbitrary>], iteration_bounds = array<i64: 10>, scalar_prefetch = 0 : i64, scratch_operands = 0 : i64, tpu.core_type = #tpu.core_type<tc>, window_params = [{transform_indices = @transform_0, window_bounds = array<i64: 1000, 128>}, {transform_indices = @transform_1, window_bounds = array<i64: 1000, 128>}, {transform_indices = @transform_2, window_bounds = array<i64: 1000, 128>}, {transform_indices = @transform_3, window_bounds = array<i64: 1000, 16>}, {pipeline_mode = #tpu.pipeline_mode<synchronous>, transform_indices = @transform_4, window_bounds = array<i64: 128, 128>}, {pipeline_mode = #tpu.pipeline_mode<synchronous>, transform_indices = @transform_5, window_bounds = array<i64: 1, 128>}, {transform_indices = @transform_6, window_bounds = array<i64: 1000, 128>}]} {
    %get3A = arith.constant 0 : index
    %get3A_0 = arith.constant 0 : index
    %get3A_1 = vector.load %arg4[%get3A, %get3A_0] : memref<1000x16xf32, #tpu.memory_space<vmem>>, vector<1000x1xf32>
    %get3A_2 = arith.constant 0 : index
    %get3A_3 = arith.constant 0 : index
    %get3A_4 = vector.load %arg1[%get3A_2, %get3A_3] : memref<1000x128xf32, #tpu.memory_space<vmem>>, vector<1000x128xf32>
    %get3A_5 = arith.constant 0 : index
    %get3A_6 = arith.constant 0 : index
    %get3A_7 = vector.load %arg2[%get3A_5, %get3A_6] : memref<1000x128xf32, #tpu.memory_space<vmem>>, vector<1000x128xf32>
    %add3A = arith.addf %get3A_4, %get3A_7 : vector<1000x128xf32>
    %get3A_8 = arith.constant 0 : index
    %get3A_9 = arith.constant 0 : index
    %get3A_10 = vector.load %arg3[%get3A_8, %get3A_9] : memref<1000x128xf32, #tpu.memory_space<vmem>>, vector<1000x128xf32>
    %add3A_11 = arith.addf %add3A, %get3A_10 : vector<1000x128xf32>
    %mul3A = vector.broadcast %get3A_1 : vector<1000x1xf32> to vector<1000x128xf32>
    %mul3A_12 = arith.mulf %add3A_11, %mul3A : vector<1000x128xf32>
    %get3A_13 = arith.constant 0 : index
    %get3A_14 = arith.constant 0 : index
    %get3A_15 = vector.load %arg6[%get3A_13, %get3A_14] : memref<1x128xf32, #tpu.memory_space<vmem>>, vector<1x128xf32>
    %add3A_16 = vector.broadcast %get3A_15 : vector<1x128xf32> to vector<1000x128xf32>
    %add3A_17 = arith.addf %mul3A_12, %add3A_16 : vector<1000x128xf32>
    %ge3A = arith.constant 0.000000e+00 : f32
    %ge3A_18 = vector.broadcast %ge3A : f32 to vector<1000x128xf32>
    %ge3A_19 = arith.cmpf oge, %add3A_17, %ge3A_18 : vector<1000x128xf32>
    %mul3A_20 = arith.constant 0.00999999977 : f32
    %mul3A_21 = vector.broadcast %mul3A_20 : f32 to vector<1000x128xf32>
    %mul3A_22 = arith.mulf %mul3A_21, %add3A_17 : vector<1000x128xf32>
    %select_n3A = arith.select %ge3A_19, %add3A_17, %mul3A_22 : vector<1000x128xi1>, vector<1000x128xf32>
    %get3A_23 = arith.constant 0 : index
    %get3A_24 = arith.constant 0 : index
    %get3A_25 = vector.load %arg5[%get3A_23, %get3A_24] : memref<128x128xf32, #tpu.memory_space<vmem>>, vector<128x128xf32>
    %dot_general3A = arith.constant dense<0.000000e+00> : vector<1000x128xf32>
    %dot_general3A_26 = tpu.matmul %select_n3A, %get3A_25, %dot_general3A {dimension_numbers = #tpu.dot_dimension_numbers<[1], [0], [0], [1], [0, 0, 1, 1], [], []>, transpose_lhs_hint = false} : vector<1000x128xf32>, vector<128x128xf32>, vector<1000x128xf32> -> vector<1000x128xf32>
    %mul3A_27 = vector.broadcast %get3A_1 : vector<1000x1xf32> to vector<1000x128xf32>
    %mul3A_28 = arith.mulf %dot_general3A_26, %mul3A_27 : vector<1000x128xf32>
    %swap3A = arith.constant 0 : index
    %swap3A_29 = arith.constant 0 : index
    %swap3A_30 = vector.load %arg7[%swap3A, %swap3A_29] : memref<1000x128xf32, #tpu.memory_space<vmem>>, vector<1000x128xf32>
    tpu.vector_store %arg7[%swap3A, %swap3A_29], %mul3A_28 {strides = array<i32>} : memref<1000x128xf32, #tpu.memory_space<vmem>>, vector<1000x128xf32>,
    return
  }
  func.func @transform_0(%arg0: i32) -> (i32, i32) {
    %c0_i32 = arith.constant 0 : i32
    %c0_i32_0 = arith.constant 0 : i32
    return %arg0, %c0_i32 : i32, i32
  }
  func.func @transform_1(%arg0: i32) -> (i32, i32) {
    %c0_i32 = arith.constant 0 : i32
    %c0_i32_0 = arith.constant 0 : i32
    return %arg0, %c0_i32 : i32, i32
  }
  func.func @transform_2(%arg0: i32) -> (i32, i32) {
    %c0_i32 = arith.constant 0 : i32
    %c0_i32_0 = arith.constant 0 : i32
    return %arg0, %c0_i32 : i32, i32
  }
  func.func @transform_3(%arg0: i32) -> (i32, i32) {
    %c0_i32 = arith.constant 0 : i32
    %c0_i32_0 = arith.constant 0 : i32
    return %arg0, %c0_i32 : i32, i32
  }
  func.func @transform_4(%arg0: i32) -> (i32, i32) {
    %c0_i32 = arith.constant 0 : i32
    %c0_i32_0 = arith.constant 0 : i32
    %c0_i32_1 = arith.constant 0 : i32
    return %c0_i32, %c0_i32_0 : i32, i32
  }
  func.func @transform_5(%arg0: i32) -> (i32, i32) {
    %c0_i32 = arith.constant 0 : i32
    %c0_i32_0 = arith.constant 0 : i32
    %c0_i32_1 = arith.constant 0 : i32
    return %c0_i32, %c0_i32_0 : i32, i32
  }
  func.func @transform_6(%arg0: i32) -> (i32, i32) {
    %c0_i32 = arith.constant 0 : i32
    %c0_i32_0 = arith.constant 0 : i32
    return %arg0, %c0_i32 : i32, i32
  }
}

module attributes {stable_mosaic.version = 14 : i64} {
  func.func @_p3_body(%arg0: i32, %arg1: memref<1000x128xf32, #tpu.memory_space<vmem>>, %arg2: memref<1000x128xf32, #tpu.memory_space<vmem>>, %arg3: memref<1000x128xf32, #tpu.memory_space<vmem>>, %arg4: memref<1000x16xf32, #tpu.memory_space<vmem>>, %arg5: memref<128x128xf32, #tpu.memory_space<vmem>>, %arg6: memref<1x128xf32, #tpu.memory_space<vmem>>, %arg7: memref<1x128xf32, #tpu.memory_space<vmem>>, %arg8: memref<1000x128xf32, #tpu.memory_space<vmem>>) attributes {dimension_semantics = [#tpu.dimension_semantics<arbitrary>], iteration_bounds = array<i64: 10>, scalar_prefetch = 0 : i64, scratch_operands = 0 : i64, tpu.core_type = #tpu.core_type<tc>, window_params = [{transform_indices = @transform_0, window_bounds = array<i64: 1000, 128>}, {transform_indices = @transform_1, window_bounds = array<i64: 1000, 128>}, {transform_indices = @transform_2, window_bounds = array<i64: 1000, 128>}, {transform_indices = @transform_3, window_bounds = array<i64: 1000, 16>}, {pipeline_mode = #tpu.pipeline_mode<synchronous>, transform_indices = @transform_4, window_bounds = array<i64: 128, 128>}, {pipeline_mode = #tpu.pipeline_mode<synchronous>, transform_indices = @transform_5, window_bounds = array<i64: 1, 128>}, {pipeline_mode = #tpu.pipeline_mode<synchronous>, transform_indices = @transform_6, window_bounds = array<i64: 1, 128>}, {transform_indices = @transform_7, window_bounds = array<i64: 1000, 128>}]} {
    %get3A = arith.constant 0 : index
    %get3A_0 = arith.constant 0 : index
    %get3A_1 = vector.load %arg4[%get3A, %get3A_0] : memref<1000x16xf32, #tpu.memory_space<vmem>>, vector<1000x1xf32>
    %get3A_2 = arith.constant 0 : index
    %get3A_3 = arith.constant 0 : index
    %get3A_4 = vector.load %arg1[%get3A_2, %get3A_3] : memref<1000x128xf32, #tpu.memory_space<vmem>>, vector<1000x128xf32>
    %get3A_5 = arith.constant 0 : index
    %get3A_6 = arith.constant 0 : index
    %get3A_7 = vector.load %arg2[%get3A_5, %get3A_6] : memref<1000x128xf32, #tpu.memory_space<vmem>>, vector<1000x128xf32>
    %add3A = arith.addf %get3A_4, %get3A_7 : vector<1000x128xf32>
    %get3A_8 = arith.constant 0 : index
    %get3A_9 = arith.constant 0 : index
    %get3A_10 = vector.load %arg3[%get3A_8, %get3A_9] : memref<1000x128xf32, #tpu.memory_space<vmem>>, vector<1000x128xf32>
    %add3A_11 = arith.addf %add3A, %get3A_10 : vector<1000x128xf32>
    %mul3A = vector.broadcast %get3A_1 : vector<1000x1xf32> to vector<1000x128xf32>
    %mul3A_12 = arith.mulf %add3A_11, %mul3A : vector<1000x128xf32>
    %get3A_13 = arith.constant 0 : index
    %get3A_14 = arith.constant 0 : index
    %get3A_15 = vector.load %arg6[%get3A_13, %get3A_14] : memref<1x128xf32, #tpu.memory_space<vmem>>, vector<1x128xf32>
    %add3A_16 = vector.broadcast %get3A_15 : vector<1x128xf32> to vector<1000x128xf32>
    %add3A_17 = arith.addf %mul3A_12, %add3A_16 : vector<1000x128xf32>
    %ge3A = arith.constant 0.000000e+00 : f32
    %ge3A_18 = vector.broadcast %ge3A : f32 to vector<1000x128xf32>
    %ge3A_19 = arith.cmpf oge, %add3A_17, %ge3A_18 : vector<1000x128xf32>
    %mul3A_20 = arith.constant 0.00999999977 : f32
    %mul3A_21 = vector.broadcast %mul3A_20 : f32 to vector<1000x128xf32>
    %mul3A_22 = arith.mulf %mul3A_21, %add3A_17 : vector<1000x128xf32>
    %select_n3A = arith.select %ge3A_19, %add3A_17, %mul3A_22 : vector<1000x128xi1>, vector<1000x128xf32>
    %get3A_23 = arith.constant 0 : index
    %get3A_24 = arith.constant 0 : index
    %get3A_25 = vector.load %arg5[%get3A_23, %get3A_24] : memref<128x128xf32, #tpu.memory_space<vmem>>, vector<128x128xf32>
    %dot_general3A = arith.constant dense<0.000000e+00> : vector<1000x128xf32>
    %dot_general3A_26 = tpu.matmul %select_n3A, %get3A_25, %dot_general3A {dimension_numbers = #tpu.dot_dimension_numbers<[1], [0], [0], [1], [0, 0, 1, 1], [], []>, transpose_lhs_hint = false} : vector<1000x128xf32>, vector<128x128xf32>, vector<1000x128xf32> -> vector<1000x128xf32>
    %get3A_27 = arith.constant 0 : index
    %get3A_28 = arith.constant 0 : index
    %get3A_29 = vector.load %arg7[%get3A_27, %get3A_28] : memref<1x128xf32, #tpu.memory_space<vmem>>, vector<1x128xf32>
    %add3A_30 = vector.broadcast %get3A_29 : vector<1x128xf32> to vector<1000x128xf32>
    %add3A_31 = arith.addf %dot_general3A_26, %add3A_30 : vector<1000x128xf32>
    %swap3A = arith.constant 0 : index
    %swap3A_32 = arith.constant 0 : index
    %swap3A_33 = vector.load %arg8[%swap3A, %swap3A_32] : memref<1000x128xf32, #tpu.memory_space<vmem>>, vector<1000x128xf32>
    tpu.vector_store %arg8[%swap3A, %swap3A_32], %add3A_31 {strides = array<i32>} : memref<1000x128xf32, #tpu.memory_space<vmem>>, vector<1000x128xf32>,
    return
  }
  func.func @transform_0(%arg0: i32) -> (i32, i32) {
    %c0_i32 = arith.constant 0 : i32
    %c0_i32_0 = arith.constant 0 : i32
    return %arg0, %c0_i32 : i32, i32
  }
  func.func @transform_1(%arg0: i32) -> (i32, i32) {
    %c0_i32 = arith.constant 0 : i32
    %c0_i32_0 = arith.constant 0 : i32
    return %arg0, %c0_i32 : i32, i32
  }
  func.func @transform_2(%arg0: i32) -> (i32, i32) {
    %c0_i32 = arith.constant 0 : i32
    %c0_i32_0 = arith.constant 0 : i32
    return %arg0, %c0_i32 : i32, i32
  }
  func.func @transform_3(%arg0: i32) -> (i32, i32) {
    %c0_i32 = arith.constant 0 : i32
    %c0_i32_0 = arith.constant 0 : i32
    return %arg0, %c0_i32 : i32, i32
  }
  func.func @transform_4(%arg0: i32) -> (i32, i32) {
    %c0_i32 = arith.constant 0 : i32
    %c0_i32_0 = arith.constant 0 : i32
    %c0_i32_1 = arith.constant 0 : i32
    return %c0_i32, %c0_i32_0 : i32, i32
  }
  func.func @transform_5(%arg0: i32) -> (i32, i32) {
    %c0_i32 = arith.constant 0 : i32
    %c0_i32_0 = arith.constant 0 : i32
    %c0_i32_1 = arith.constant 0 : i32
    return %c0_i32, %c0_i32_0 : i32, i32
  }
  func.func @transform_6(%arg0: i32) -> (i32, i32) {
    %c0_i32 = arith.constant 0 : i32
    %c0_i32_0 = arith.constant 0 : i32
    %c0_i32_1 = arith.constant 0 : i32
    return %c0_i32, %c0_i32_0 : i32, i32
  }
  func.func @transform_7(%arg0: i32) -> (i32, i32) {
    %c0_i32 = arith.constant 0 : i32
    %c0_i32_0 = arith.constant 0 : i32
    return %arg0, %c0_i32 : i32, i32
  }
}

</mosaic_0001>

<sc_bundles>
// kernel: kernel.11.cloned.1.call-start
scs
__scs_entry_jumppad:
0x0: {  	(pc) =	sbr.rel $0x88, $3  }
0x1: {  	(tag) =	ssettag $0x0;
	lr =	simm.s32 $0x1  }
0x2: {  	[smem:$0x3F99] =	sst lr;
	_ =	strace $0xD0000000  }
0x3: {  	_ = 	snop  }
0x4: {  	_ = 	snop  }
0x5: {  	_ = 	snop  }
0x6: {  	_ = 	snop  }
0x7: {  	_ = 	snop  }
__scs_overlays_trampoline_lowered:
0x8: {  	[smem:$0x3FA8] =	sst s0  }
0x9: {  	[smem:$0x3FA9] =	sst s1  }
0xa: {  	[smem:$0x3FAA] =	sst s2  }
0xb: {  	[smem:$0x3FAB] =	sst s3  }
0xc: {  	[smem:$0x3FAC] =	sst s4  }
0xd: {  	[smem:$0x3FAD] =	sst s5  }
0xe: {  	[smem:$0x3FAE] =	sst s6  }
0xf: {  	[smem:$0x3FAF] =	sst s7  }
0x10: {  	[smem:$0x3FB0] =	sst s8  }
0x11: {  	[smem:$0x3FB1] =	sst s9;
	s0 =	simm.s32 @!p0 $0x0  }
0x12: {  	s1 =	sld [smem:$0x3F97];
	s0 =	simm.s32 @p0 $0x1  }
0x13: {  	[smem:$0x3FB2] =	sst s0;
	s0 =	simm.s32 @!p1 $0x0  }
0x14: {  	s2 =	sld [smem:$0x3F96];
	s0 =	simm.s32 @p1 $0x1  }
0x15: {  	[smem:$0x3FB3] =	sst s0;
	s0 =	simm.s32 @!p2 $0x0  }
0x16: {  	s3 =	sld [smem:$0x3FDB];
	s0 =	simm.s32 @p2 $0x1  }
0x17: {  	s4 =	simm.s32 $0x1BF5;
	[smem:$0x3FB5] =	sst s0  }
0x18: {  	s0 =	sld [smem:$0x3F98];
	_ =	swait.ge [sflag:s4], $0x0  }
0x19: {  	s7 =	sld [smem:$0x3F99]  }
0x1a: {  	s8 =	sadd.s32 $0xFFFFE003, lr  }
0x1b: {  	s9 =	sadd.s32 $0xFFFFFEF7, lr;
	s5 =	simm.s32 $0xFFFFFFFF;
	p2 =	slt.u32 s8, $0xFFFFF086  }
0x1c: {  	p1 =	slt.u32 s9, $0xF7A;
	s5 =	simm.s32 @!p2 $0x0  }
0x1d: {  	s5 =	simm.s32 @p1 $0x1;
	p0 =	seq.s32 s7, s2  }
0x1e: {  	s7 =	smul.u32 @!p0 $0xF7A, s2;
	p2 =	seq.s32 @!p0 s5, $0x0  }
0x1f: {  	s9 =	smul.u32 $0xF7A, s1;
	s8 =	simm.s32 @!p0 $0x1BF5;
	p2 =	por !p2, p0  }
0x20: {  	[sflag:s8] =	ssyncset.s32 @!p0 $0xFFFFF086;
	s6 =	sadd.s32 @!p0 s3, s7;
	s7 =	simm.s32 @!p0 $0x108  }
0x21: {  	s3 =	sadd.s32 s3, s9;
	s6 =	sadd.s32 @!p0 $0x88, s6;
	s7 =	simm.s32 @p2 $0x1082  }
0x22: {  	[simem:s7], [sflag:s8] =	dma.local @!p0 [hbm:s6], $0xF7A  }
0x23: {  	s9 =	sor.u32 $0xD0000000, s2;
	s6 =	simm.s32 $0x108;
	_ =	swait.ge @!p0 [sflag:s8], $0x0  }
0x24: {  	s3 =	sadd.s32 $0x88, s3;
	s6 =	simm.s32 @!p1 $0x1082;
	[sflag:s4] =	ssyncset.s32 $0xFFFFF086  }
0x25: {  	[simem:s6], [sflag:s4] =	dma.local [hbm:s3], $0xF7A  }
0x26: {  	[smem:$0x3F99] =	sst s1;
	(tag) =	ssettag s2;
	_ =	strace s9  }
0x27: {  	s1 =	sld [smem:$0x3FA9]  }
0x28: {  	s2 =	sld [smem:$0x3FAA]  }
0x29: {  	s4 =	sld [smem:$0x3FAC]  }
0x2a: {  	p0 =	seq.s32 s5, $0x0;
	s5 =	sld [smem:$0x3FAD]  }
0x2b: {  	s6 =	sld [smem:$0x3FAE]  }
0x2c: {  	s7 =	sld [smem:$0x3FAF]  }
0x2d: {  	s3 =	simm.s32 $0x108;
	s8 =	sld [smem:$0x3FB0]  }
0x2e: {  	s3 =	simm.s32 @!p0 $0x1082;
	s9 =	sld [smem:$0x3FB1]  }
0x2f: {  	lr =	sadd.s32 s0, s3;
	s0 =	sld [smem:$0x3FA8]  }
0x30: {  	s3 =	sld [smem:$0x3FAB]  }
0x31: {  	[smem:$0x3FB4] =	sst s10  }
0x32: {  	s10 =	sld [smem:$0x3FB2];
	_ =	sdelay $0x3  }
0x33: {  	p0 =	seq.s32 s10, $0x1;
	s10 =	sld [smem:$0x3FB4];
	_ =	sdelay $0x3  }
0x34: {  	[smem:$0x3FB4] =	sst s10  }
0x35: {  	s10 =	sld [smem:$0x3FB3];
	_ =	sdelay $0x3  }
0x36: {  	p1 =	seq.s32 s10, $0x1;
	s10 =	sld [smem:$0x3FB4];
	_ =	sdelay $0x3  }
0x37: {  	[smem:$0x3FB4] =	sst s10  }
0x38: {  	s10 =	sld [smem:$0x3FB5]  }
0x39: {  	_ = 	snop;
	(pc) =	sbr.ind lr, $3  }
0x3a: {  	_ = 	snop  }
0x3b: {  	_ = 	snop  }
0x3c: {  	p2 =	seq.s32 s10, $0x1;
	s10 =	sld [smem:$0x3FB4]  }
0x3d: {  	_ =	shalt  }
0x3e: {  	_ =	shalt  }
0x3f: {  	_ =	shalt  }
0x40: {  	_ =	shalt  }
0x41: {  	_ =	shalt  }
0x42: {  	_ =	shalt  }
0x43: {  	_ =	shalt  }
0x44: {  	_ =	shalt  }
0x45: {  	_ =	shalt  }
0x46: {  	_ =	shalt  }
0x47: {  	_ =	shalt  }
0x48: {  	_ =	shalt  }
0x49: {  	_ =	shalt  }
0x4a: {  	_ =	shalt  }
0x4b: {  	_ =	shalt  }
0x4c: {  	_ =	shalt  }
0x4d: {  	_ =	shalt  }
0x4e: {  	_ =	shalt  }
0x4f: {  	_ =	shalt  }
0x50: {  	_ =	shalt  }
0x51: {  	_ =	shalt  }
0x52: {  	_ =	shalt  }
0x53: {  	_ =	shalt  }
0x54: {  	_ =	shalt  }
0x55: {  	_ =	shalt  }
0x56: {  	_ =	shalt  }
0x57: {  	_ =	shalt  }
0x58: {  	_ =	shalt  }
0x59: {  	_ =	shalt  }
0x5a: {  	_ =	shalt  }
0x5b: {  	_ =	shalt  }
0x5c: {  	_ =	shalt  }
0x5d: {  	_ =	shalt  }
0x5e: {  	_ =	shalt  }
0x5f: {  	_ =	shalt  }
0x60: {  	_ =	shalt  }
0x61: {  	_ =	shalt  }
0x62: {  	_ =	shalt  }
0x63: {  	_ =	shalt  }
0x64: {  	_ =	shalt  }
0x65: {  	_ =	shalt  }
0x66: {  	_ =	shalt  }
0x67: {  	_ =	shalt  }
0x68: {  	_ =	shalt  }
0x69: {  	_ =	shalt  }
0x6a: {  	_ =	shalt  }
0x6b: {  	_ =	shalt  }
0x6c: {  	_ =	shalt  }
0x6d: {  	_ =	shalt  }
0x6e: {  	_ =	shalt  }
0x6f: {  	_ =	shalt  }
0x70: {  	_ =	shalt  }
0x71: {  	_ =	shalt  }
0x72: {  	_ =	shalt  }
0x73: {  	_ =	shalt  }
0x74: {  	_ =	shalt  }
0x75: {  	_ =	shalt  }
0x76: {  	_ =	shalt  }
0x77: {  	_ =	shalt  }
0x78: {  	_ =	shalt  }
0x79: {  	_ =	shalt  }
0x7a: {  	_ =	shalt  }
0x7b: {  	_ =	shalt  }
0x7c: {  	_ =	shalt  }
0x7d: {  	_ =	shalt  }
0x7e: {  	_ =	shalt  }
0x7f: {  	_ =	shalt  }
0x80: {  	_ =	shalt  }
0x81: {  	_ =	shalt  }
0x82: {  	_ =	shalt  }
0x83: {  	_ =	shalt  }
0x84: {  	_ =	shalt  }
0x85: {  	_ =	shalt  }
0x86: {  	_ =	shalt  }
0x87: {  	_ =	shalt  }
.Lfunc_end0:
.L_simem_size_0:
called_computation.1_lowered:
.L_overlay_start_0:
0x88: {  	s2 =	sld [smem:$0x3FD9]  }
0x89: {  	s3 =	sld [smem:$0x3FFE];
	_ =	sdelay $0x1  }
0x8a: {  	s1 =	srdreg.scid  }
0x8b: {  	s0 =	sand.u32 $0x1, s1  }
0x8c: {  	s17 =	sshll.u32 s0, $0xA;
	s2 =	sadd.s32 s3, s2  }
0x8d: {  	s2 =	sadd.s32 s2, s17  }
0x8e: {  	[smem:$0x3FC0] =	sst s2  }
0x8f: {  	_ = 	snop  }
0x90: {  	s2 =	sld [smem:$0x3FD0];
	(tm) =	ssettm $0x1  }
0x91: {  	s18 =	sld [smem:$0x3FFB];
	_ =	sdelay $0x3  }
0x92: {  	_ =	strace s18  }
0x93: {  	s3 =	sld [smem:$0x3FFC];
	_ =	sdelay $0x3  }
0x94: {  	_ =	strace s3  }
0x95: {  	s3 =	sld [smem:$0x3FFD];
	_ =	sdelay $0x3  }
0x96: {  	_ =	strace s3  }
0x97: {  	_ =	strace $0x8FFFFFFF  }
0x98: {  	s19 =	sld [smem:$0x3FDB];
	_ =	sdelay $0x1  }
0x99: {  	s4 =	simm.s32 $_scs_section_size  }
0x9a: {  	s5 =	simm.s32 $_size__tile_overlayer_lowered;
	s6 =	simm.s32 $_tile_overlayer_lowered  }
0x9b: {  	s22 =	simm.s32 $0x1BFF;
	s21 =	sshll.u32 s6, $0x1;
	s3 =	sadd.s32 s4, s19  }
0x9c: {  	s7 =	simm.s32 $0x0;
	s20 =	sshll.u32 s5, $0x1;
	s5 =	sadd.s32 s21, s3  }
0x9d: {  	[timem:s7], [sflag:s22] =	dma.local [hbm:s5], s20  }
0x9e: {  	_ =	swait.ge [sflag:s22], s20  }
0x9f: {  	s4 =	ssub.s32 $0x0, s20;
	[sflag:s22] =	ssyncset.done $0x0  }
0xa0: {  	[sflag:s22] =	ssyncadd.s32 s4;
	_ =	sdelay $0x1  }
0xa1: {  	s23 =	simm.s32 $0x1B8B  }
0xa2: {  	_ =	swait.ge [sflag:s23], $0x1  }
0xa3: {  	[sflag:s23] =	ssyncset.done $0x0  }
0xa4: {  	s25 =	simm.s32 $0x1B8E;
	s24 =	sld [smem:$0x3FFE];
	[sflag:s23] =	ssyncadd.s32 $0xFFFFFFFF  }
0xa5: {  	s26 =	simm.s32 $execute0_lowered;
	[smem:$0x3FD2] =	sst s25  }
0xa6: {  	s5 =	sshll.u32 s26, $0x1;
	_ =	strace $0x80000049;
	[dreg:$0x1] =	wrdreg $0xFFFFFFFF  }
0xa7: {  	s28 =	simm.s32 $_size_execute0_lowered;
	s3 =	sadd.s32 s3, s5;
	[dreg:$0x0] =	wrdreg $0x0  }
0xa8: {  	s5 =	sshll.u32 s28, $0x1;
	[dreg:$0x2] =	wrdreg s3  }
0xa9: {  	[dreg:$0x3] =	wrdreg s5  }
0xaa: {  	[dreg:$0x4] =	wrdreg $0xC0  }
0xab: {  	_ =	task [dreg:s7], $0x5FFFF  }
0xac: {  	[dreg:$0x1] =	wrdreg $0xFFFFFFFF  }
0xad: {  	[dreg:$0x0] =	wrdreg $0x60  }
0xae: {  	[dreg:$0x2] =	wrdreg s24  }
0xaf: {  	[dreg:$0x3] =	wrdreg s2  }
0xb0: {  	[dreg:$0x4] =	wrdreg $0xA9000  }
0xb1: {  	[dreg:$0x5] =	wrdreg $0x9  }
0xb2: {  	_ =	task.clear_ibuf [dreg:s7], $0x6FFFF;
	_ =	strace $0x90000049  }
0xb3: {  	s29 =	simm.s32 $0x9;
	_ =	strace $0x8000004B  }
0xb4: {  	_ =	swait.ge [sflag:s29], $0x1  }
0xb5: {  	[sflag:s29] =	ssyncadd.s32 $0xFFFFFFFF  }
0xb6: {  	_ =	strace $0x9000004B  }
0xb7: {  	_ =	sfence  }
0xb8: {  	s30 =	sld [smem:$0x0];
	_ =	sdelay $0x2  }
0xb9: {  	s31 =	sshll.u32 s1, $0xD;
	s1 =	sshrl.u32 s1, $0x2  }
0xba: {  	s3 =	sand.u32 $0x4000, s31;
	s1 =	sadd.s32 s1, s30  }
0xbb: {  	s0 =	sor.u32 s3, s0;
	s1 =	sshll.u32 s1, $0x11  }
0xbc: {  	s0 =	sor.u32 s1, s0  }
0xbd: {  	s0 =	sadd.s32 $0x8F2B, s0  }
0xbe: {  	[sflag:s0] =	ssyncadd.remote.s32 $0x1  }
0xbf: {  	_ =	sfence.sel $0xFFFF  }
0xc0: {  	[dreg:$0x0] =	wrdreg $0xFFFFFFFF;
	(pc) =	sbr.abs _section_cstart, $3  }
0xc1: {  	[dreg:$0x1] =	wrdreg $0xFFFFFFFF  }
0xc2: {  	_ =	task.clear_ibuf [dreg:s7], $0x2FFFF;
	_ =	strace $0x9FFFFFFF  }
0xc3: {  	(tm) =	ssettm $0x7FFFFFFF  }
tec
execute0_lowered:
.L_overlay_start_1:
0x0: {  	(tag) =	ssettag $0x1  }
0x1: {  	s5 =	rddreg [dreg:$0x0]  }
0x2: {  	s1 =	rddreg [dreg:$0x1]  }
0x3: {  	s0 =	srdreg.scid;
	s3 =	rddreg [dreg:$0x2];
	s4 =	simm.s32 $0x0  }
0x4: {  	s19 =	simm.s32 $0x2800;
	s20 =	simm.s32 $0x80;
	s7 =	sand.u32 $0x1, s0  }
0x5: {  	s21 =	simm.s32 $0x2880;
	s0 =	stileid.u32;
	s6 =	smul.u32 $0x13C000, s7  }
0x6: {  	s22 =	simm.s32 $0x6900;
	s28 =	simm.s32 $0x0;
	s9 =	smul.u32 $0x13C00, s0  }
0x7: {  	[smem:$0x7FF] =	sst s4;
	s16 =	sadd.s32 $0x2E00, s5;
	s23 =	smul.u32 $0x4F000, s0  }
0x8: {  	s8 =	sshll.u32 s0, $0x1;
	_ =	strace $0x8000004A;
	s12 =	smul.u32 $0x5000, s0  }
0x9: {  	s24 =	ssub.s32 $0x2, s7;
	s15 =	smul.u32 $0x2800, s7;
	s8 =	sor.u32 s7, s8  }
0xa: {  	s29 =	sshrl.u32 s24, $0x1;
	s10 =	smul.u32 $0x500, s8;
	s6 =	sadd.s32 s9, s6  }
0xb: {  	s25 =	sshrl.u32 s23, $0x2;
	s26 =	smul.u32 $0x2800, s8;
	s14 =	ssub.s32 s24, s29  }
0xc: {  	s15 =	sadd.s32 s15, s12;
	s23 =	simm.s32 $0x1;
	s24 =	simm.s32 $0x3  }
0xd: {  	s6 =	sshrl.u32 s6, $0x3;
	s17 =	sor.u32 $0x100, s15;
	s18 =	sor.u32 $0x180, s15  }
0xe: {  	s14 =	smax.u32 s14, $0x1;
	s11 =	sadd.s32 s10, s5;
	s13 =	sadd.s32 s6, s5  }
0xf: {  	s5 =	sadd.s32 s25, s3;
	s30 =	sshrl.u32 s26, $0x3;
	s17 =	sshrl.u32 s17, $0x3  }
0x10: {  	s31 =	sshrl.u32 s18, $0x3;
	s18 =	simm.s32 $0x5;
	s25 =	simm.s32 $0x2  }
0x11: {  	s26 =	simm.s32 $0x4;
	s6 =	sadd.s32 $0x4000, s5;
	s7 =	sadd.s32 $0x8000, s5  }
0x12: {  	s8 =	sadd.s32 $0xC000, s5;
	s9 =	sadd.s32 $0x10000, s5;
	s10 =	sadd.s32 s16, s30  }
0x13: {  	s11 =	sadd.s32 $0x5BE00, s11;
	s13 =	sadd.s32 $0xCE00, s13;
	s15 =	sadd.s32 s17, s16  }
0x14: {  	v0 =	vimm.f32 $0.0e+00;
	s16 =	sadd.s32 s31, s16;
	s17 =	simm.s32 $0x2900;
	s12 =	sadd.s32 $0x10, s10  }
.LBB2_1:
0x15: {  	s29 =	simm.s32 $0x0;
	s30 =	simm.s32 $0x200  }
.LBB2_2:
0x16: {  	p0 =	sne.s32 s30, $0xFE00;
	[tilespmem:s29+$0x2970] =	vst v0  }
0x17: {  	[tilespmem:s29+$0x2900] =	vst v0  }
0x18: {  	[tilespmem:s29+$0x2910] =	vst v0  }
.Ltmp0:
0x19: {  	[tilespmem:s29+$0x2920] =	vst v0;
	(pc) =	sbr.rel @p0 .LBB2_2-.Ltmp0, $4  }
0x1a: {  	[tilespmem:s29+$0x2930] =	vst v0  }
0x1b: {  	[tilespmem:s29+$0x2940] =	vst v0  }
0x1c: {  	[tilespmem:s29+$0x2950] =	vst v0  }
0x1d: {  	[tilespmem:s29+$0x2960] =	vst v0;
	s29 =	sshra.s32 s30, $0x2;
	s30 =	sadd.s32 $0x200, s30  }
0x1e: {  	[tilespmem:s29+$0x2970] =	vst v0  }
0x1f: {  	[tilespmem:s29+$0x2900] =	vst v0  }
0x20: {  	[tilespmem:s29+$0x2910] =	vst v0  }
0x21: {  	[tilespmem:s29+$0x2920] =	vst v0  }
0x22: {  	[tilespmem:s29+$0x2930] =	vst v0  }
0x23: {  	[tilespmem:s29+$0x2940] =	vst v0  }
0x24: {  	[tilespmem:s29+$0x2950] =	vst v0  }
0x25: {  	[tilespmem:s29+$0x2960] =	vst v0  }
0x26: {  	[spmem:s5] =	stream.linear.scatter [tilespmem:s17], [sflag:$0x5], $0x4000, $0x38;
	[tilespmem:$0x1E500] =	vst v63  }
0x27: {  	_ =	swait.ge [sflag:s18], $0x4000  }
0x28: {  	[sflag:s18] =	ssyncset.done $0x0  }
0x29: {  	[sflag:s18] =	ssyncadd.s32 $0xFFFFC000  }
0x2a: {  	[spmem:s6] =	stream.linear.scatter [tilespmem:s17], [sflag:$0x5], $0x4000, $0x38;
	[tilespmem:$0x1E500] =	vst v63  }
0x2b: {  	_ =	swait.ge [sflag:s18], $0x4000  }
0x2c: {  	[sflag:s18] =	ssyncset.done $0x0  }
0x2d: {  	[sflag:s18] =	ssyncadd.s32 $0xFFFFC000  }
0x2e: {  	[spmem:s7] =	stream.linear.scatter [tilespmem:s17], [sflag:$0x5], $0x4000, $0x38;
	[tilespmem:$0x1E500] =	vst v63  }
0x2f: {  	_ =	swait.ge [sflag:s18], $0x4000  }
0x30: {  	[sflag:s18] =	ssyncset.done $0x0  }
0x31: {  	[sflag:s18] =	ssyncadd.s32 $0xFFFFC000  }
0x32: {  	[spmem:s8] =	stream.linear.scatter [tilespmem:s17], [sflag:$0x5], $0x4000, $0x38;
	[tilespmem:$0x1E500] =	vst v63  }
0x33: {  	_ =	swait.ge [sflag:s18], $0x4000  }
0x34: {  	[sflag:s18] =	ssyncset.done $0x0  }
0x35: {  	[sflag:s18] =	ssyncadd.s32 $0xFFFFC000  }
0x36: {  	[spmem:s9] =	stream.linear.scatter [tilespmem:s17], [sflag:$0x5], $0x3C00, $0x38;
	[tilespmem:$0x1E500] =	vst v63  }
0x37: {  	_ =	swait.ge [sflag:s18], $0x3C00  }
0x38: {  	[sflag:s18] =	ssyncset.done $0x0  }
0x39: {  	s29 =	simm.s32 $0x0;
	[sflag:s18] =	ssyncadd.s32 $0xFFFFC400  }
0x3a: {  	[tilespmem:s29], [sflag:$0x5] =	stream.linear.gather [hbm4b:s11+s29], $0x2800, $0x38;
	[tilespmem:$0x1E500] =	vst v63  }
0x3b: {  	_ =	swait.ge [sflag:s18], $0x2800  }
0x3c: {  	[sflag:s18] =	ssyncset.done $0x0  }
0x3d: {  	[sflag:s18] =	ssyncadd.s32 $0xFFFFD800  }
0x3e: {  	[bflag:$0x0] =	sbarrier.arrive $0xFFFF  }
0x3f: {  	[tilespmem:s19], [sflag:$0x3] =	stream.linear.gather [hbm4b:s10+s29], $0x80, $0x38;
	[tilespmem:$0x1E500] =	vst v63  }
0x40: {  	_ = 	snop  }
0x41: {  	[tilespmem:s17], [sflag:$0x1] =	stream.indirect.gather [hbm4b:s1+s20], $0x80, s29, s20, $0xb8;
	[tilespmem:$0x1E500] =	vst v63  }
0x42: {  	_ = 	snop  }
0x43: {  	[tilespmem:s21], [sflag:$0x4] =	stream.linear.gather [hbm4b:s12+s29], $0x80, $0x38;
	[tilespmem:$0x1E500] =	vst v63  }
0x44: {  	_ = 	snop  }
0x45: {  	[tilespmem:s22], [sflag:$0x2] =	stream.indirect.gather [hbm4b:s1+s20], $0x80, s20, s20, $0xb8;
	[tilespmem:$0x1E500] =	vst v63  }
0x46: {  	_ =	swait.ge [sflag:s23], $0x4000  }
0x47: {  	[sflag:s23] =	ssyncset.done $0x0  }
0x48: {  	[sflag:s23] =	ssyncadd.s32 $0xFFFFC000  }
0x49: {  	_ =	swait.ge [sflag:s24], $0x80  }
0x4a: {  	[sflag:s24] =	ssyncset.done $0x0  }
0x4b: {  	[sflag:s24] =	ssyncadd.s32 $0xFFFFFF80  }
0x4c: {  	[spmem:s3] =	stream.indirect.scatter.add.f32 [tilespmem:s17], [sflag:$0x5], $0x80, s19, s20, $0xb8;
	[tilespmem:$0x1E500] =	vst v63  }
0x4d: {  	_ =	swait.ge [sflag:s18], $0x4000  }
0x4e: {  	[sflag:s18] =	ssyncset.done $0x0  }
0x4f: {  	s29 =	sadd.s32 $0x0, s15;
	[sflag:s18] =	ssyncadd.s32 $0xFFFFC000  }
0x50: {  	[tilespmem:s19], [sflag:$0x3] =	stream.linear.gather [hbm4b:s29+s4], $0x80, $0x38;
	[tilespmem:$0x1E500] =	vst v63  }
0x51: {  	s29 =	simm.s32 $0x100  }
0x52: {  	[tilespmem:s17], [sflag:$0x1] =	stream.indirect.gather [hbm4b:s1+s20], $0x80, s29, s20, $0xb8;
	[tilespmem:$0x1E500] =	vst v63  }
0x53: {  	_ =	swait.ge [sflag:s25], $0x4000  }
0x54: {  	[sflag:s25] =	ssyncset.done $0x0  }
0x55: {  	[sflag:s25] =	ssyncadd.s32 $0xFFFFC000  }
0x56: {  	_ =	swait.ge [sflag:s26], $0x80  }
0x57: {  	[sflag:s26] =	ssyncset.done $0x0  }
0x58: {  	[sflag:s26] =	ssyncadd.s32 $0xFFFFFF80  }
0x59: {  	[spmem:s3] =	stream.indirect.scatter.add.f32 [tilespmem:s22], [sflag:$0x5], $0x80, s21, s20, $0xb8;
	[tilespmem:$0x1E500] =	vst v63  }
0x5a: {  	_ =	swait.ge [sflag:s18], $0x4000  }
0x5b: {  	[sflag:s18] =	ssyncset.done $0x0  }
0x5c: {  	s29 =	sadd.s32 $0x0, s16;
	[sflag:s18] =	ssyncadd.s32 $0xFFFFC000  }
0x5d: {  	[tilespmem:s21], [sflag:$0x4] =	stream.linear.gather [hbm4b:s29+s4], $0x80, $0x38;
	[tilespmem:$0x1E500] =	vst v63  }
0x5e: {  	s31 =	simm.s32 $0x180;
	s30 =	simm.s32 $0x200;
	s29 =	simm.s32 $0x20  }
.LBB2_4:
0x5f: {  	[tilespmem:s22], [sflag:$0x2] =	stream.indirect.gather [hbm4b:s1+s20], $0x80, s31, s20, $0xb8;
	[tilespmem:$0x1E500] =	vst v63  }
0x60: {  	s31 =	smov.u32 s29  }
0x61: {  	p0 =	sne.s32 s29, $0x4C0;
	s29 =	sadd.s32 $0x20, s29;
	_ =	swait.ge [sflag:s23], $0x4000  }
0x62: {  	[sflag:s23] =	ssyncset.done $0x0  }
0x63: {  	[sflag:s23] =	ssyncadd.s32 $0xFFFFC000  }
0x64: {  	_ =	swait.ge [sflag:s24], $0x80  }
0x65: {  	[sflag:s24] =	ssyncset.done $0x0  }
0x66: {  	[sflag:s24] =	ssyncadd.s32 $0xFFFFFF80  }
0x67: {  	[spmem:s3] =	stream.indirect.scatter.add.f32 [tilespmem:s17], [sflag:$0x5], $0x80, s19, s20, $0xb8;
	[tilespmem:$0x1E500] =	vst v63  }
0x68: {  	_ =	swait.ge [sflag:s18], $0x4000  }
0x69: {  	[sflag:s18] =	ssyncset.done $0x0  }
0x6a: {  	s2 =	sadd.s32 s31, s15;
	[sflag:s18] =	ssyncadd.s32 $0xFFFFC000  }
0x6b: {  	[tilespmem:s19], [sflag:$0x3] =	stream.linear.gather [hbm4b:s2+s4], $0x80, $0x38;
	[tilespmem:$0x1E500] =	vst v63  }
0x6c: {  	_ = 	snop  }
0x6d: {  	[tilespmem:s17], [sflag:$0x1] =	stream.indirect.gather [hbm4b:s1+s20], $0x80, s30, s20, $0xb8;
	[tilespmem:$0x1E500] =	vst v63  }
0x6e: {  	_ =	swait.ge [sflag:s25], $0x4000  }
0x6f: {  	[sflag:s25] =	ssyncset.done $0x0  }
0x70: {  	[sflag:s25] =	ssyncadd.s32 $0xFFFFC000  }
0x71: {  	_ =	swait.ge [sflag:s26], $0x80  }
0x72: {  	[sflag:s26] =	ssyncset.done $0x0  }
0x73: {  	[sflag:s26] =	ssyncadd.s32 $0xFFFFFF80  }
0x74: {  	[spmem:s3] =	stream.indirect.scatter.add.f32 [tilespmem:s22], [sflag:$0x5], $0x80, s21, s20, $0xb8;
	[tilespmem:$0x1E500] =	vst v63  }
.Ltmp1:
0x75: {  	_ =	swait.ge [sflag:s18], $0x4000;
	(pc) =	sbr.rel @p0 .LBB2_4-.Ltmp1, $4  }
0x76: {  	[sflag:s18] =	ssyncset.done $0x0  }
0x77: {  	s2 =	sadd.s32 s31, s16;
	[sflag:s18] =	ssyncadd.s32 $0xFFFFC000  }
0x78: {  	[tilespmem:s21], [sflag:$0x4] =	stream.linear.gather [hbm4b:s2+s4], $0x80, $0x38;
	[tilespmem:$0x1E500] =	vst v63  }
0x79: {  	s31 =	sadd.s32 $0x80, s30;
	s30 =	sadd.s32 $0x100, s30  }
0x7a: {  	[tilespmem:s22], [sflag:$0x2] =	stream.indirect.gather [hbm4b:s1+s20], $0x80, s31, s20, $0xb8;
	[tilespmem:$0x1E500] =	vst v63  }
0x7b: {  	_ =	swait.ge [sflag:s23], $0x4000  }
0x7c: {  	[sflag:s23] =	ssyncset.done $0x0  }
0x7d: {  	[sflag:s23] =	ssyncadd.s32 $0xFFFFC000  }
0x7e: {  	_ =	swait.ge [sflag:s24], $0x80  }
0x7f: {  	[sflag:s24] =	ssyncset.done $0x0  }
0x80: {  	[sflag:s24] =	ssyncadd.s32 $0xFFFFFF80  }
0x81: {  	[spmem:s3] =	stream.indirect.scatter.add.f32 [tilespmem:s17], [sflag:$0x5], $0x80, s19, s20, $0xb8;
	[tilespmem:$0x1E500] =	vst v63  }
0x82: {  	_ =	swait.ge [sflag:s18], $0x4000  }
0x83: {  	[sflag:s18] =	ssyncset.done $0x0  }
0x84: {  	[sflag:s18] =	ssyncadd.s32 $0xFFFFC000  }
0x85: {  	_ =	swait.ge [sflag:s25], $0x4000  }
0x86: {  	[sflag:s25] =	ssyncset.done $0x0  }
0x87: {  	[sflag:s25] =	ssyncadd.s32 $0xFFFFC000  }
0x88: {  	_ =	swait.ge [sflag:s26], $0x80  }
0x89: {  	[sflag:s26] =	ssyncset.done $0x0  }
0x8a: {  	[sflag:s26] =	ssyncadd.s32 $0xFFFFFF80  }
0x8b: {  	[spmem:s3] =	stream.indirect.scatter.add.f32 [tilespmem:s22], [sflag:$0x5], $0x80, s21, s20, $0xb8;
	[tilespmem:$0x1E500] =	vst v63  }
0x8c: {  	_ =	swait.ge [sflag:s18], $0x4000  }
0x8d: {  	s2 =	sshll.u32 s0, $0x6;
	s28 =	sadd.s32 $0x1, s28;
	[sflag:s18] =	ssyncset.done $0x0  }
0x8e: {  	s29 =	sshrl.u32 s5, $0x3;
	p0 =	sne.s32 s28, s14;
	[sflag:s18] =	ssyncadd.s32 $0xFFFFC000  }
.Ltmp2:
0x8f: {  	s2 =	sor.u32 $0x1C05, s2;
	[bflag:$0x0] =	sbarrier.arrive $0xFFFF;
	(pc) =	sbr.rel @p0 .LBB2_1-.Ltmp2, $4  }
0x90: {  	[hbm:s13], [sflag:s2] =	dma.local [spmem:s29], $0x2780  }
0x91: {  	_ =	swait.ge [sflag:s18], $0x2780  }
0x92: {  	[sflag:s18] =	ssyncset.done $0x0  }
0x93: {  	[sflag:s18] =	ssyncadd.s32 $0xFFFFD880  }
0x94: {  	_ =	sfence.sel $0x180000  }
0x95: {  	[bflag:$0x0] =	sbarrier.arrive $0xFFFF  }
0x96: {  	_ =	strace $0x9000004A  }
0x97: {  	[bflag:$0x2] =	sbarrier.arrive $0xFFFF  }
0x98: {  	p0 =	sne.s32 s0, $0x0;
	s0 =	rddreg [dreg:$0x3]  }
0x99: {  	s0 =	sadd.s32 @!p0 $0x100000, s0  }
0x9a: {  	[sflag:s0] =	ssyncadd.tile.s32 @!p0 $0x1;
	_ =	shalt  }
.Lfunc_end2:
_tile_overlayer_lowered:
.L_overlay_start_2:
0x9b: {  	(tag) =	ssettag $0x2  }
0x9c: {  	s0 =	rddreg [dreg:$0x0];
	s2 =	stileid.u32  }
0x9d: {  	s1 =	rddreg [dreg:$0x1];
	p0 =	sne.s32 s2, $0x0  }
0x9e: {  	s3 =	rddreg [dreg:$0x2];
	[bflag:$0x3] =	sbarrier.arrive $0xFFFF;
	s2 =	simm.s32 @!p0 $0x1C05  }
0x9f: {  	[timem:s3], [sflag:s2] =	dma.local @!p0 [hbm:s0], s1  }
0xa0: {  	s0 =	simm.s32 @!p0 $0x5  }
0xa1: {  	_ =	swait.ge @!p0 [sflag:s0], s1  }
0xa2: {  	s1 =	ssub.s32 @!p0 $0x0, s1;
	[sflag:s0] =	ssyncset.done @!p0 $0x0  }
0xa3: {  	[sflag:s0] =	ssyncadd.s32 @!p0 s1  }
0xa4: {  	[bflag:$0x3] =	sbarrier.arrive $0xFFFF  }
0xa5: {  	_ =	shalt  }

// kernel: kernel.14.cloned.1.call-start
scs
__scs_entry_jumppad:
0x0: {  	(pc) =	sbr.rel $0x88, $3  }
0x1: {  	(tag) =	ssettag $0x0;
	lr =	simm.s32 $0x1  }
0x2: {  	[smem:$0x3F99] =	sst lr;
	_ =	strace $0xD0000000  }
0x3: {  	_ = 	snop  }
0x4: {  	_ = 	snop  }
0x5: {  	_ = 	snop  }
0x6: {  	_ = 	snop  }
0x7: {  	_ = 	snop  }
__scs_overlays_trampoline_lowered:
0x8: {  	[smem:$0x3FA8] =	sst s0  }
0x9: {  	[smem:$0x3FA9] =	sst s1  }
0xa: {  	[smem:$0x3FAA] =	sst s2  }
0xb: {  	[smem:$0x3FAB] =	sst s3  }
0xc: {  	[smem:$0x3FAC] =	sst s4  }
0xd: {  	[smem:$0x3FAD] =	sst s5  }
0xe: {  	[smem:$0x3FAE] =	sst s6  }
0xf: {  	[smem:$0x3FAF] =	sst s7  }
0x10: {  	[smem:$0x3FB0] =	sst s8  }
0x11: {  	[smem:$0x3FB1] =	sst s9;
	s0 =	simm.s32 @!p0 $0x0  }
0x12: {  	s1 =	sld [smem:$0x3F97];
	s0 =	simm.s32 @p0 $0x1  }
0x13: {  	[smem:$0x3FB2] =	sst s0;
	s0 =	simm.s32 @!p1 $0x0  }
0x14: {  	s2 =	sld [smem:$0x3F96];
	s0 =	simm.s32 @p1 $0x1  }
0x15: {  	[smem:$0x3FB3] =	sst s0;
	s0 =	simm.s32 @!p2 $0x0  }
0x16: {  	s3 =	sld [smem:$0x3FDB];
	s0 =	simm.s32 @p2 $0x1  }
0x17: {  	s4 =	simm.s32 $0x1BF5;
	[smem:$0x3FB5] =	sst s0  }
0x18: {  	s0 =	sld [smem:$0x3F98];
	_ =	swait.ge [sflag:s4], $0x0  }
0x19: {  	s7 =	sld [smem:$0x3F99]  }
0x1a: {  	s8 =	sadd.s32 $0xFFFFE003, lr  }
0x1b: {  	s9 =	sadd.s32 $0xFFFFFEF7, lr;
	s5 =	simm.s32 $0xFFFFFFFF;
	p2 =	slt.u32 s8, $0xFFFFF086  }
0x1c: {  	p1 =	slt.u32 s9, $0xF7A;
	s5 =	simm.s32 @!p2 $0x0  }
0x1d: {  	s5 =	simm.s32 @p1 $0x1;
	p0 =	seq.s32 s7, s2  }
0x1e: {  	s7 =	smul.u32 @!p0 $0xF7A, s2;
	p2 =	seq.s32 @!p0 s5, $0x0  }
0x1f: {  	s9 =	smul.u32 $0xF7A, s1;
	s8 =	simm.s32 @!p0 $0x1BF5;
	p2 =	por !p2, p0  }
0x20: {  	[sflag:s8] =	ssyncset.s32 @!p0 $0xFFFFF086;
	s6 =	sadd.s32 @!p0 s3, s7;
	s7 =	simm.s32 @!p0 $0x108  }
0x21: {  	s3 =	sadd.s32 s3, s9;
	s6 =	sadd.s32 @!p0 $0x88, s6;
	s7 =	simm.s32 @p2 $0x1082  }
0x22: {  	[simem:s7], [sflag:s8] =	dma.local @!p0 [hbm:s6], $0xF7A  }
0x23: {  	s9 =	sor.u32 $0xD0000000, s2;
	s6 =	simm.s32 $0x108;
	_ =	swait.ge @!p0 [sflag:s8], $0x0  }
0x24: {  	s3 =	sadd.s32 $0x88, s3;
	s6 =	simm.s32 @!p1 $0x1082;
	[sflag:s4] =	ssyncset.s32 $0xFFFFF086  }
0x25: {  	[simem:s6], [sflag:s4] =	dma.local [hbm:s3], $0xF7A  }
0x26: {  	[smem:$0x3F99] =	sst s1;
	(tag) =	ssettag s2;
	_ =	strace s9  }
0x27: {  	s1 =	sld [smem:$0x3FA9]  }
0x28: {  	s2 =	sld [smem:$0x3FAA]  }
0x29: {  	s4 =	sld [smem:$0x3FAC]  }
0x2a: {  	p0 =	seq.s32 s5, $0x0;
	s5 =	sld [smem:$0x3FAD]  }
0x2b: {  	s6 =	sld [smem:$0x3FAE]  }
0x2c: {  	s7 =	sld [smem:$0x3FAF]  }
0x2d: {  	s3 =	simm.s32 $0x108;
	s8 =	sld [smem:$0x3FB0]  }
0x2e: {  	s3 =	simm.s32 @!p0 $0x1082;
	s9 =	sld [smem:$0x3FB1]  }
0x2f: {  	lr =	sadd.s32 s0, s3;
	s0 =	sld [smem:$0x3FA8]  }
0x30: {  	s3 =	sld [smem:$0x3FAB]  }
0x31: {  	[smem:$0x3FB4] =	sst s10  }
0x32: {  	s10 =	sld [smem:$0x3FB2];
	_ =	sdelay $0x3  }
0x33: {  	p0 =	seq.s32 s10, $0x1;
	s10 =	sld [smem:$0x3FB4];
	_ =	sdelay $0x3  }
0x34: {  	[smem:$0x3FB4] =	sst s10  }
0x35: {  	s10 =	sld [smem:$0x3FB3];
	_ =	sdelay $0x3  }
0x36: {  	p1 =	seq.s32 s10, $0x1;
	s10 =	sld [smem:$0x3FB4];
	_ =	sdelay $0x3  }
0x37: {  	[smem:$0x3FB4] =	sst s10  }
0x38: {  	s10 =	sld [smem:$0x3FB5]  }
0x39: {  	_ = 	snop;
	(pc) =	sbr.ind lr, $3  }
0x3a: {  	_ = 	snop  }
0x3b: {  	_ = 	snop  }
0x3c: {  	p2 =	seq.s32 s10, $0x1;
	s10 =	sld [smem:$0x3FB4]  }
0x3d: {  	_ =	shalt  }
0x3e: {  	_ =	shalt  }
0x3f: {  	_ =	shalt  }
0x40: {  	_ =	shalt  }
0x41: {  	_ =	shalt  }
0x42: {  	_ =	shalt  }
0x43: {  	_ =	shalt  }
0x44: {  	_ =	shalt  }
0x45: {  	_ =	shalt  }
0x46: {  	_ =	shalt  }
0x47: {  	_ =	shalt  }
0x48: {  	_ =	shalt  }
0x49: {  	_ =	shalt  }
0x4a: {  	_ =	shalt  }
0x4b: {  	_ =	shalt  }
0x4c: {  	_ =	shalt  }
0x4d: {  	_ =	shalt  }
0x4e: {  	_ =	shalt  }
0x4f: {  	_ =	shalt  }
0x50: {  	_ =	shalt  }
0x51: {  	_ =	shalt  }
0x52: {  	_ =	shalt  }
0x53: {  	_ =	shalt  }
0x54: {  	_ =	shalt  }
0x55: {  	_ =	shalt  }
0x56: {  	_ =	shalt  }
0x57: {  	_ =	shalt  }
0x58: {  	_ =	shalt  }
0x59: {  	_ =	shalt  }
0x5a: {  	_ =	shalt  }
0x5b: {  	_ =	shalt  }
0x5c: {  	_ =	shalt  }
0x5d: {  	_ =	shalt  }
0x5e: {  	_ =	shalt  }
0x5f: {  	_ =	shalt  }
0x60: {  	_ =	shalt  }
0x61: {  	_ =	shalt  }
0x62: {  	_ =	shalt  }
0x63: {  	_ =	shalt  }
0x64: {  	_ =	shalt  }
0x65: {  	_ =	shalt  }
0x66: {  	_ =	shalt  }
0x67: {  	_ =	shalt  }
0x68: {  	_ =	shalt  }
0x69: {  	_ =	shalt  }
0x6a: {  	_ =	shalt  }
0x6b: {  	_ =	shalt  }
0x6c: {  	_ =	shalt  }
0x6d: {  	_ =	shalt  }
0x6e: {  	_ =	shalt  }
0x6f: {  	_ =	shalt  }
0x70: {  	_ =	shalt  }
0x71: {  	_ =	shalt  }
0x72: {  	_ =	shalt  }
0x73: {  	_ =	shalt  }
0x74: {  	_ =	shalt  }
0x75: {  	_ =	shalt  }
0x76: {  	_ =	shalt  }
0x77: {  	_ =	shalt  }
0x78: {  	_ =	shalt  }
0x79: {  	_ =	shalt  }
0x7a: {  	_ =	shalt  }
0x7b: {  	_ =	shalt  }
0x7c: {  	_ =	shalt  }
0x7d: {  	_ =	shalt  }
0x7e: {  	_ =	shalt  }
0x7f: {  	_ =	shalt  }
0x80: {  	_ =	shalt  }
0x81: {  	_ =	shalt  }
0x82: {  	_ =	shalt  }
0x83: {  	_ =	shalt  }
0x84: {  	_ =	shalt  }
0x85: {  	_ =	shalt  }
0x86: {  	_ =	shalt  }
0x87: {  	_ =	shalt  }
.Lfunc_end0:
.L_simem_size_0:
called_computation.2_lowered:
.L_overlay_start_0:
0x88: {  	s2 =	sld [smem:$0x3FD9]  }
0x89: {  	s3 =	sld [smem:$0x3FFE];
	_ =	sdelay $0x1  }
0x8a: {  	s1 =	srdreg.scid  }
0x8b: {  	s0 =	sand.u32 $0x1, s1  }
0x8c: {  	s17 =	sshll.u32 s0, $0xA;
	s2 =	sadd.s32 s3, s2  }
0x8d: {  	s2 =	sadd.s32 s2, s17  }
0x8e: {  	[smem:$0x3FC0] =	sst s2  }
0x8f: {  	_ = 	snop  }
0x90: {  	s2 =	sld [smem:$0x3FD0];
	(tm) =	ssettm $0x1  }
0x91: {  	s18 =	sld [smem:$0x3FFB];
	_ =	sdelay $0x3  }
0x92: {  	_ =	strace s18  }
0x93: {  	s3 =	sld [smem:$0x3FFC];
	_ =	sdelay $0x3  }
0x94: {  	_ =	strace s3  }
0x95: {  	s3 =	sld [smem:$0x3FFD];
	_ =	sdelay $0x3  }
0x96: {  	_ =	strace s3  }
0x97: {  	_ =	strace $0x8FFFFFFF  }
0x98: {  	s19 =	sld [smem:$0x3FDB];
	_ =	sdelay $0x1  }
0x99: {  	s4 =	simm.s32 $_scs_section_size  }
0x9a: {  	s5 =	simm.s32 $_size__tile_overlayer_lowered;
	s6 =	simm.s32 $_tile_overlayer_lowered  }
0x9b: {  	s22 =	simm.s32 $0x1BFF;
	s21 =	sshll.u32 s6, $0x1;
	s3 =	sadd.s32 s4, s19  }
0x9c: {  	s7 =	simm.s32 $0x0;
	s20 =	sshll.u32 s5, $0x1;
	s5 =	sadd.s32 s21, s3  }
0x9d: {  	[timem:s7], [sflag:s22] =	dma.local [hbm:s5], s20  }
0x9e: {  	_ =	swait.ge [sflag:s22], s20  }
0x9f: {  	s4 =	ssub.s32 $0x0, s20;
	[sflag:s22] =	ssyncset.done $0x0  }
0xa0: {  	[sflag:s22] =	ssyncadd.s32 s4;
	_ =	sdelay $0x1  }
0xa1: {  	s23 =	simm.s32 $0x1B8B  }
0xa2: {  	_ =	swait.ge [sflag:s23], $0x1  }
0xa3: {  	[sflag:s23] =	ssyncset.done $0x0  }
0xa4: {  	s25 =	simm.s32 $0x1B8E;
	s24 =	sld [smem:$0x3FFE];
	[sflag:s23] =	ssyncadd.s32 $0xFFFFFFFF  }
0xa5: {  	s26 =	simm.s32 $execute0_lowered;
	[smem:$0x3FD2] =	sst s25  }
0xa6: {  	s5 =	sshll.u32 s26, $0x1;
	_ =	strace $0x8000004C;
	[dreg:$0x1] =	wrdreg $0xFFFFFFFF  }
0xa7: {  	s28 =	simm.s32 $_size_execute0_lowered;
	s3 =	sadd.s32 s3, s5;
	[dreg:$0x0] =	wrdreg $0x0  }
0xa8: {  	s5 =	sshll.u32 s28, $0x1;
	[dreg:$0x2] =	wrdreg s3  }
0xa9: {  	[dreg:$0x3] =	wrdreg s5  }
0xaa: {  	[dreg:$0x4] =	wrdreg $0xC0  }
0xab: {  	_ =	task [dreg:s7], $0x5FFFF  }
0xac: {  	[dreg:$0x1] =	wrdreg $0xFFFFFFFF  }
0xad: {  	[dreg:$0x0] =	wrdreg $0x60  }
0xae: {  	[dreg:$0x2] =	wrdreg s24  }
0xaf: {  	[dreg:$0x3] =	wrdreg s2  }
0xb0: {  	[dreg:$0x4] =	wrdreg $0xA9000  }
0xb1: {  	[dreg:$0x5] =	wrdreg $0x9  }
0xb2: {  	_ =	task.clear_ibuf [dreg:s7], $0x6FFFF;
	_ =	strace $0x9000004C  }
0xb3: {  	s29 =	simm.s32 $0x9;
	_ =	strace $0x8000004E  }
0xb4: {  	_ =	swait.ge [sflag:s29], $0x1  }
0xb5: {  	[sflag:s29] =	ssyncadd.s32 $0xFFFFFFFF  }
0xb6: {  	_ =	strace $0x9000004E  }
0xb7: {  	_ =	sfence  }
0xb8: {  	s30 =	sld [smem:$0x0];
	_ =	sdelay $0x2  }
0xb9: {  	s31 =	sshll.u32 s1, $0xD;
	s1 =	sshrl.u32 s1, $0x2  }
0xba: {  	s3 =	sand.u32 $0x4000, s31;
	s1 =	sadd.s32 s1, s30  }
0xbb: {  	s0 =	sor.u32 s3, s0;
	s1 =	sshll.u32 s1, $0x11  }
0xbc: {  	s0 =	sor.u32 s1, s0  }
0xbd: {  	s0 =	sadd.s32 $0x8F2B, s0  }
0xbe: {  	[sflag:s0] =	ssyncadd.remote.s32 $0x1  }
0xbf: {  	_ =	sfence.sel $0xFFFF  }
0xc0: {  	[dreg:$0x0] =	wrdreg $0xFFFFFFFF;
	(pc) =	sbr.abs _section_cstart, $3  }
0xc1: {  	[dreg:$0x1] =	wrdreg $0xFFFFFFFF  }
0xc2: {  	_ =	task.clear_ibuf [dreg:s7], $0x2FFFF;
	_ =	strace $0x9FFFFFFF  }
0xc3: {  	(tm) =	ssettm $0x7FFFFFFF  }
tec
execute0_lowered:
.L_overlay_start_1:
0x0: {  	(tag) =	ssettag $0x1  }
0x1: {  	s5 =	rddreg [dreg:$0x0]  }
0x2: {  	s1 =	rddreg [dreg:$0x1]  }
0x3: {  	s0 =	srdreg.scid;
	s3 =	rddreg [dreg:$0x2];
	s4 =	simm.s32 $0x0  }
0x4: {  	s19 =	simm.s32 $0x2800;
	s20 =	simm.s32 $0x80;
	s7 =	sand.u32 $0x1, s0  }
0x5: {  	s21 =	simm.s32 $0x2880;
	s0 =	stileid.u32;
	s6 =	smul.u32 $0x13C000, s7  }
0x6: {  	s22 =	simm.s32 $0x6900;
	s28 =	simm.s32 $0x0;
	s9 =	smul.u32 $0x13C00, s0  }
0x7: {  	[smem:$0x7FF] =	sst s4;
	s16 =	sadd.s32 $0x2E00, s5;
	s23 =	smul.u32 $0x4F000, s0  }
0x8: {  	s8 =	sshll.u32 s0, $0x1;
	_ =	strace $0x8000004D;
	s12 =	smul.u32 $0x5000, s0  }
0x9: {  	s24 =	ssub.s32 $0x2, s7;
	s15 =	smul.u32 $0x2800, s7;
	s8 =	sor.u32 s7, s8  }
0xa: {  	s29 =	sshrl.u32 s24, $0x1;
	s10 =	smul.u32 $0x500, s8;
	s6 =	sadd.s32 s9, s6  }
0xb: {  	s25 =	sshrl.u32 s23, $0x2;
	s26 =	smul.u32 $0x2800, s8;
	s14 =	ssub.s32 s24, s29  }
0xc: {  	s15 =	sadd.s32 s15, s12;
	s23 =	simm.s32 $0x1;
	s24 =	simm.s32 $0x3  }
0xd: {  	s6 =	sshrl.u32 s6, $0x3;
	s17 =	sor.u32 $0x100, s15;
	s18 =	sor.u32 $0x180, s15  }
0xe: {  	s14 =	smax.u32 s14, $0x1;
	s11 =	sadd.s32 s10, s5;
	s13 =	sadd.s32 s6, s5  }
0xf: {  	s5 =	sadd.s32 s25, s3;
	s30 =	sshrl.u32 s26, $0x3;
	s17 =	sshrl.u32 s17, $0x3  }
0x10: {  	s31 =	sshrl.u32 s18, $0x3;
	s18 =	simm.s32 $0x5;
	s25 =	simm.s32 $0x2  }
0x11: {  	s26 =	simm.s32 $0x4;
	s6 =	sadd.s32 $0x4000, s5;
	s7 =	sadd.s32 $0x8000, s5  }
0x12: {  	s8 =	sadd.s32 $0xC000, s5;
	s9 =	sadd.s32 $0x10000, s5;
	s10 =	sadd.s32 s16, s30  }
0x13: {  	s11 =	sadd.s32 $0x5BE00, s11;
	s13 =	sadd.s32 $0xCE00, s13;
	s15 =	sadd.s32 s17, s16  }
0x14: {  	v0 =	vimm.f32 $0.0e+00;
	s16 =	sadd.s32 s31, s16;
	s17 =	simm.s32 $0x2900;
	s12 =	sadd.s32 $0x10, s10  }
.LBB2_1:
0x15: {  	s29 =	simm.s32 $0x0;
	s30 =	simm.s32 $0x200  }
.LBB2_2:
0x16: {  	p0 =	sne.s32 s30, $0xFE00;
	[tilespmem:s29+$0x2970] =	vst v0  }
0x17: {  	[tilespmem:s29+$0x2900] =	vst v0  }
0x18: {  	[tilespmem:s29+$0x2910] =	vst v0  }
.Ltmp0:
0x19: {  	[tilespmem:s29+$0x2920] =	vst v0;
	(pc) =	sbr.rel @p0 .LBB2_2-.Ltmp0, $4  }
0x1a: {  	[tilespmem:s29+$0x2930] =	vst v0  }
0x1b: {  	[tilespmem:s29+$0x2940] =	vst v0  }
0x1c: {  	[tilespmem:s29+$0x2950] =	vst v0  }
0x1d: {  	[tilespmem:s29+$0x2960] =	vst v0;
	s29 =	sshra.s32 s30, $0x2;
	s30 =	sadd.s32 $0x200, s30  }
0x1e: {  	[tilespmem:s29+$0x2970] =	vst v0  }
0x1f: {  	[tilespmem:s29+$0x2900] =	vst v0  }
0x20: {  	[tilespmem:s29+$0x2910] =	vst v0  }
0x21: {  	[tilespmem:s29+$0x2920] =	vst v0  }
0x22: {  	[tilespmem:s29+$0x2930] =	vst v0  }
0x23: {  	[tilespmem:s29+$0x2940] =	vst v0  }
0x24: {  	[tilespmem:s29+$0x2950] =	vst v0  }
0x25: {  	[tilespmem:s29+$0x2960] =	vst v0  }
0x26: {  	[spmem:s5] =	stream.linear.scatter [tilespmem:s17], [sflag:$0x5], $0x4000, $0x38;
	[tilespmem:$0x1E500] =	vst v63  }
0x27: {  	_ =	swait.ge [sflag:s18], $0x4000  }
0x28: {  	[sflag:s18] =	ssyncset.done $0x0  }
0x29: {  	[sflag:s18] =	ssyncadd.s32 $0xFFFFC000  }
0x2a: {  	[spmem:s6] =	stream.linear.scatter [tilespmem:s17], [sflag:$0x5], $0x4000, $0x38;
	[tilespmem:$0x1E500] =	vst v63  }
0x2b: {  	_ =	swait.ge [sflag:s18], $0x4000  }
0x2c: {  	[sflag:s18] =	ssyncset.done $0x0  }
0x2d: {  	[sflag:s18] =	ssyncadd.s32 $0xFFFFC000  }
0x2e: {  	[spmem:s7] =	stream.linear.scatter [tilespmem:s17], [sflag:$0x5], $0x4000, $0x38;
	[tilespmem:$0x1E500] =	vst v63  }
0x2f: {  	_ =	swait.ge [sflag:s18], $0x4000  }
0x30: {  	[sflag:s18] =	ssyncset.done $0x0  }
0x31: {  	[sflag:s18] =	ssyncadd.s32 $0xFFFFC000  }
0x32: {  	[spmem:s8] =	stream.linear.scatter [tilespmem:s17], [sflag:$0x5], $0x4000, $0x38;
	[tilespmem:$0x1E500] =	vst v63  }
0x33: {  	_ =	swait.ge [sflag:s18], $0x4000  }
0x34: {  	[sflag:s18] =	ssyncset.done $0x0  }
0x35: {  	[sflag:s18] =	ssyncadd.s32 $0xFFFFC000  }
0x36: {  	[spmem:s9] =	stream.linear.scatter [tilespmem:s17], [sflag:$0x5], $0x3C00, $0x38;
	[tilespmem:$0x1E500] =	vst v63  }
0x37: {  	_ =	swait.ge [sflag:s18], $0x3C00  }
0x38: {  	[sflag:s18] =	ssyncset.done $0x0  }
0x39: {  	s29 =	simm.s32 $0x0;
	[sflag:s18] =	ssyncadd.s32 $0xFFFFC400  }
0x3a: {  	[tilespmem:s29], [sflag:$0x5] =	stream.linear.gather [hbm4b:s11+s29], $0x2800, $0x38;
	[tilespmem:$0x1E500] =	vst v63  }
0x3b: {  	_ =	swait.ge [sflag:s18], $0x2800  }
0x3c: {  	[sflag:s18] =	ssyncset.done $0x0  }
0x3d: {  	[sflag:s18] =	ssyncadd.s32 $0xFFFFD800  }
0x3e: {  	[bflag:$0x0] =	sbarrier.arrive $0xFFFF  }
0x3f: {  	[tilespmem:s19], [sflag:$0x3] =	stream.linear.gather [hbm4b:s10+s29], $0x80, $0x38;
	[tilespmem:$0x1E500] =	vst v63  }
0x40: {  	_ = 	snop  }
0x41: {  	[tilespmem:s17], [sflag:$0x1] =	stream.indirect.gather [hbm4b:s1+s20], $0x80, s29, s20, $0xb8;
	[tilespmem:$0x1E500] =	vst v63  }
0x42: {  	_ = 	snop  }
0x43: {  	[tilespmem:s21], [sflag:$0x4] =	stream.linear.gather [hbm4b:s12+s29], $0x80, $0x38;
	[tilespmem:$0x1E500] =	vst v63  }
0x44: {  	_ = 	snop  }
0x45: {  	[tilespmem:s22], [sflag:$0x2] =	stream.indirect.gather [hbm4b:s1+s20], $0x80, s20, s20, $0xb8;
	[tilespmem:$0x1E500] =	vst v63  }
0x46: {  	_ =	swait.ge [sflag:s23], $0x4000  }
0x47: {  	[sflag:s23] =	ssyncset.done $0x0  }
0x48: {  	[sflag:s23] =	ssyncadd.s32 $0xFFFFC000  }
0x49: {  	_ =	swait.ge [sflag:s24], $0x80  }
0x4a: {  	[sflag:s24] =	ssyncset.done $0x0  }
0x4b: {  	[sflag:s24] =	ssyncadd.s32 $0xFFFFFF80  }
0x4c: {  	[spmem:s3] =	stream.indirect.scatter.add.f32 [tilespmem:s17], [sflag:$0x5], $0x80, s19, s20, $0xb8;
	[tilespmem:$0x1E500] =	vst v63  }
0x4d: {  	_ =	swait.ge [sflag:s18], $0x4000  }
0x4e: {  	[sflag:s18] =	ssyncset.done $0x0  }
0x4f: {  	s29 =	sadd.s32 $0x0, s15;
	[sflag:s18] =	ssyncadd.s32 $0xFFFFC000  }
0x50: {  	[tilespmem:s19], [sflag:$0x3] =	stream.linear.gather [hbm4b:s29+s4], $0x80, $0x38;
	[tilespmem:$0x1E500] =	vst v63  }
0x51: {  	s29 =	simm.s32 $0x100  }
0x52: {  	[tilespmem:s17], [sflag:$0x1] =	stream.indirect.gather [hbm4b:s1+s20], $0x80, s29, s20, $0xb8;
	[tilespmem:$0x1E500] =	vst v63  }
0x53: {  	_ =	swait.ge [sflag:s25], $0x4000  }
0x54: {  	[sflag:s25] =	ssyncset.done $0x0  }
0x55: {  	[sflag:s25] =	ssyncadd.s32 $0xFFFFC000  }
0x56: {  	_ =	swait.ge [sflag:s26], $0x80  }
0x57: {  	[sflag:s26] =	ssyncset.done $0x0  }
0x58: {  	[sflag:s26] =	ssyncadd.s32 $0xFFFFFF80  }
0x59: {  	[spmem:s3] =	stream.indirect.scatter.add.f32 [tilespmem:s22], [sflag:$0x5], $0x80, s21, s20, $0xb8;
	[tilespmem:$0x1E500] =	vst v63  }
0x5a: {  	_ =	swait.ge [sflag:s18], $0x4000  }
0x5b: {  	[sflag:s18] =	ssyncset.done $0x0  }
0x5c: {  	s29 =	sadd.s32 $0x0, s16;
	[sflag:s18] =	ssyncadd.s32 $0xFFFFC000  }
0x5d: {  	[tilespmem:s21], [sflag:$0x4] =	stream.linear.gather [hbm4b:s29+s4], $0x80, $0x38;
	[tilespmem:$0x1E500] =	vst v63  }
0x5e: {  	s31 =	simm.s32 $0x180;
	s30 =	simm.s32 $0x200;
	s29 =	simm.s32 $0x20  }
.LBB2_4:
0x5f: {  	[tilespmem:s22], [sflag:$0x2] =	stream.indirect.gather [hbm4b:s1+s20], $0x80, s31, s20, $0xb8;
	[tilespmem:$0x1E500] =	vst v63  }
0x60: {  	s31 =	smov.u32 s29  }
0x61: {  	p0 =	sne.s32 s29, $0x4C0;
	s29 =	sadd.s32 $0x20, s29;
	_ =	swait.ge [sflag:s23], $0x4000  }
0x62: {  	[sflag:s23] =	ssyncset.done $0x0  }
0x63: {  	[sflag:s23] =	ssyncadd.s32 $0xFFFFC000  }
0x64: {  	_ =	swait.ge [sflag:s24], $0x80  }
0x65: {  	[sflag:s24] =	ssyncset.done $0x0  }
0x66: {  	[sflag:s24] =	ssyncadd.s32 $0xFFFFFF80  }
0x67: {  	[spmem:s3] =	stream.indirect.scatter.add.f32 [tilespmem:s17], [sflag:$0x5], $0x80, s19, s20, $0xb8;
	[tilespmem:$0x1E500] =	vst v63  }
0x68: {  	_ =	swait.ge [sflag:s18], $0x4000  }
0x69: {  	[sflag:s18] =	ssyncset.done $0x0  }
0x6a: {  	s2 =	sadd.s32 s31, s15;
	[sflag:s18] =	ssyncadd.s32 $0xFFFFC000  }
0x6b: {  	[tilespmem:s19], [sflag:$0x3] =	stream.linear.gather [hbm4b:s2+s4], $0x80, $0x38;
	[tilespmem:$0x1E500] =	vst v63  }
0x6c: {  	_ = 	snop  }
0x6d: {  	[tilespmem:s17], [sflag:$0x1] =	stream.indirect.gather [hbm4b:s1+s20], $0x80, s30, s20, $0xb8;
	[tilespmem:$0x1E500] =	vst v63  }
0x6e: {  	_ =	swait.ge [sflag:s25], $0x4000  }
0x6f: {  	[sflag:s25] =	ssyncset.done $0x0  }
0x70: {  	[sflag:s25] =	ssyncadd.s32 $0xFFFFC000  }
0x71: {  	_ =	swait.ge [sflag:s26], $0x80  }
0x72: {  	[sflag:s26] =	ssyncset.done $0x0  }
0x73: {  	[sflag:s26] =	ssyncadd.s32 $0xFFFFFF80  }
0x74: {  	[spmem:s3] =	stream.indirect.scatter.add.f32 [tilespmem:s22], [sflag:$0x5], $0x80, s21, s20, $0xb8;
	[tilespmem:$0x1E500] =	vst v63  }
.Ltmp1:
0x75: {  	_ =	swait.ge [sflag:s18], $0x4000;
	(pc) =	sbr.rel @p0 .LBB2_4-.Ltmp1, $4  }
0x76: {  	[sflag:s18] =	ssyncset.done $0x0  }
0x77: {  	s2 =	sadd.s32 s31, s16;
	[sflag:s18] =	ssyncadd.s32 $0xFFFFC000  }
0x78: {  	[tilespmem:s21], [sflag:$0x4] =	stream.linear.gather [hbm4b:s2+s4], $0x80, $0x38;
	[tilespmem:$0x1E500] =	vst v63  }
0x79: {  	s31 =	sadd.s32 $0x80, s30;
	s30 =	sadd.s32 $0x100, s30  }
0x7a: {  	[tilespmem:s22], [sflag:$0x2] =	stream.indirect.gather [hbm4b:s1+s20], $0x80, s31, s20, $0xb8;
	[tilespmem:$0x1E500] =	vst v63  }
0x7b: {  	_ =	swait.ge [sflag:s23], $0x4000  }
0x7c: {  	[sflag:s23] =	ssyncset.done $0x0  }
0x7d: {  	[sflag:s23] =	ssyncadd.s32 $0xFFFFC000  }
0x7e: {  	_ =	swait.ge [sflag:s24], $0x80  }
0x7f: {  	[sflag:s24] =	ssyncset.done $0x0  }
0x80: {  	[sflag:s24] =	ssyncadd.s32 $0xFFFFFF80  }
0x81: {  	[spmem:s3] =	stream.indirect.scatter.add.f32 [tilespmem:s17], [sflag:$0x5], $0x80, s19, s20, $0xb8;
	[tilespmem:$0x1E500] =	vst v63  }
0x82: {  	_ =	swait.ge [sflag:s18], $0x4000  }
0x83: {  	[sflag:s18] =	ssyncset.done $0x0  }
0x84: {  	[sflag:s18] =	ssyncadd.s32 $0xFFFFC000  }
0x85: {  	_ =	swait.ge [sflag:s25], $0x4000  }
0x86: {  	[sflag:s25] =	ssyncset.done $0x0  }
0x87: {  	[sflag:s25] =	ssyncadd.s32 $0xFFFFC000  }
0x88: {  	_ =	swait.ge [sflag:s26], $0x80  }
0x89: {  	[sflag:s26] =	ssyncset.done $0x0  }
0x8a: {  	[sflag:s26] =	ssyncadd.s32 $0xFFFFFF80  }
0x8b: {  	[spmem:s3] =	stream.indirect.scatter.add.f32 [tilespmem:s22], [sflag:$0x5], $0x80, s21, s20, $0xb8;
	[tilespmem:$0x1E500] =	vst v63  }
0x8c: {  	_ =	swait.ge [sflag:s18], $0x4000  }
0x8d: {  	s2 =	sshll.u32 s0, $0x6;
	s28 =	sadd.s32 $0x1, s28;
	[sflag:s18] =	ssyncset.done $0x0  }
0x8e: {  	s29 =	sshrl.u32 s5, $0x3;
	p0 =	sne.s32 s28, s14;
	[sflag:s18] =	ssyncadd.s32 $0xFFFFC000  }
.Ltmp2:
0x8f: {  	s2 =	sor.u32 $0x1C05, s2;
	[bflag:$0x0] =	sbarrier.arrive $0xFFFF;
	(pc) =	sbr.rel @p0 .LBB2_1-.Ltmp2, $4  }
0x90: {  	[hbm:s13], [sflag:s2] =	dma.local [spmem:s29], $0x2780  }
0x91: {  	_ =	swait.ge [sflag:s18], $0x2780  }
0x92: {  	[sflag:s18] =	ssyncset.done $0x0  }
0x93: {  	[sflag:s18] =	ssyncadd.s32 $0xFFFFD880  }
0x94: {  	_ =	sfence.sel $0x180000  }
0x95: {  	[bflag:$0x0] =	sbarrier.arrive $0xFFFF  }
0x96: {  	_ =	strace $0x9000004D  }
0x97: {  	[bflag:$0x2] =	sbarrier.arrive $0xFFFF  }
0x98: {  	p0 =	sne.s32 s0, $0x0;
	s0 =	rddreg [dreg:$0x3]  }
0x99: {  	s0 =	sadd.s32 @!p0 $0x100000, s0  }
0x9a: {  	[sflag:s0] =	ssyncadd.tile.s32 @!p0 $0x1;
	_ =	shalt  }
.Lfunc_end2:
_tile_overlayer_lowered:
.L_overlay_start_2:
0x9b: {  	(tag) =	ssettag $0x2  }
0x9c: {  	s0 =	rddreg [dreg:$0x0];
	s2 =	stileid.u32  }
0x9d: {  	s1 =	rddreg [dreg:$0x1];
	p0 =	sne.s32 s2, $0x0  }
0x9e: {  	s3 =	rddreg [dreg:$0x2];
	[bflag:$0x3] =	sbarrier.arrive $0xFFFF;
	s2 =	simm.s32 @!p0 $0x1C05  }
0x9f: {  	[timem:s3], [sflag:s2] =	dma.local @!p0 [hbm:s0], s1  }
0xa0: {  	s0 =	simm.s32 @!p0 $0x5  }
0xa1: {  	_ =	swait.ge @!p0 [sflag:s0], s1  }
0xa2: {  	s1 =	ssub.s32 @!p0 $0x0, s1;
	[sflag:s0] =	ssyncset.done @!p0 $0x0  }
0xa3: {  	[sflag:s0] =	ssyncadd.s32 @!p0 s1  }
0xa4: {  	[bflag:$0x3] =	sbarrier.arrive $0xFFFF  }
0xa5: {  	_ =	shalt  }

// kernel: kernel.8.cloned.1.call-start
scs
__scs_entry_jumppad:
0x0: {  	(pc) =	sbr.rel $0x88, $3  }
0x1: {  	(tag) =	ssettag $0x0;
	lr =	simm.s32 $0x1  }
0x2: {  	[smem:$0x3F99] =	sst lr;
	_ =	strace $0xD0000000  }
0x3: {  	_ = 	snop  }
0x4: {  	_ = 	snop  }
0x5: {  	_ = 	snop  }
0x6: {  	_ = 	snop  }
0x7: {  	_ = 	snop  }
__scs_overlays_trampoline_lowered:
0x8: {  	[smem:$0x3FA8] =	sst s0  }
0x9: {  	[smem:$0x3FA9] =	sst s1  }
0xa: {  	[smem:$0x3FAA] =	sst s2  }
0xb: {  	[smem:$0x3FAB] =	sst s3  }
0xc: {  	[smem:$0x3FAC] =	sst s4  }
0xd: {  	[smem:$0x3FAD] =	sst s5  }
0xe: {  	[smem:$0x3FAE] =	sst s6  }
0xf: {  	[smem:$0x3FAF] =	sst s7  }
0x10: {  	[smem:$0x3FB0] =	sst s8  }
0x11: {  	[smem:$0x3FB1] =	sst s9;
	s0 =	simm.s32 @!p0 $0x0  }
0x12: {  	s1 =	sld [smem:$0x3F97];
	s0 =	simm.s32 @p0 $0x1  }
0x13: {  	[smem:$0x3FB2] =	sst s0;
	s0 =	simm.s32 @!p1 $0x0  }
0x14: {  	s2 =	sld [smem:$0x3F96];
	s0 =	simm.s32 @p1 $0x1  }
0x15: {  	[smem:$0x3FB3] =	sst s0;
	s0 =	simm.s32 @!p2 $0x0  }
0x16: {  	s3 =	sld [smem:$0x3FDB];
	s0 =	simm.s32 @p2 $0x1  }
0x17: {  	s4 =	simm.s32 $0x1BF5;
	[smem:$0x3FB5] =	sst s0  }
0x18: {  	s0 =	sld [smem:$0x3F98];
	_ =	swait.ge [sflag:s4], $0x0  }
0x19: {  	s7 =	sld [smem:$0x3F99]  }
0x1a: {  	s8 =	sadd.s32 $0xFFFFE003, lr  }
0x1b: {  	s9 =	sadd.s32 $0xFFFFFEF7, lr;
	s5 =	simm.s32 $0xFFFFFFFF;
	p2 =	slt.u32 s8, $0xFFFFF086  }
0x1c: {  	p1 =	slt.u32 s9, $0xF7A;
	s5 =	simm.s32 @!p2 $0x0  }
0x1d: {  	s5 =	simm.s32 @p1 $0x1;
	p0 =	seq.s32 s7, s2  }
0x1e: {  	s7 =	smul.u32 @!p0 $0xF7A, s2;
	p2 =	seq.s32 @!p0 s5, $0x0  }
0x1f: {  	s9 =	smul.u32 $0xF7A, s1;
	s8 =	simm.s32 @!p0 $0x1BF5;
	p2 =	por !p2, p0  }
0x20: {  	[sflag:s8] =	ssyncset.s32 @!p0 $0xFFFFF086;
	s6 =	sadd.s32 @!p0 s3, s7;
	s7 =	simm.s32 @!p0 $0x108  }
0x21: {  	s3 =	sadd.s32 s3, s9;
	s6 =	sadd.s32 @!p0 $0x88, s6;
	s7 =	simm.s32 @p2 $0x1082  }
0x22: {  	[simem:s7], [sflag:s8] =	dma.local @!p0 [hbm:s6], $0xF7A  }
0x23: {  	s9 =	sor.u32 $0xD0000000, s2;
	s6 =	simm.s32 $0x108;
	_ =	swait.ge @!p0 [sflag:s8], $0x0  }
0x24: {  	s3 =	sadd.s32 $0x88, s3;
	s6 =	simm.s32 @!p1 $0x1082;
	[sflag:s4] =	ssyncset.s32 $0xFFFFF086  }
0x25: {  	[simem:s6], [sflag:s4] =	dma.local [hbm:s3], $0xF7A  }
0x26: {  	[smem:$0x3F99] =	sst s1;
	(tag) =	ssettag s2;
	_ =	strace s9  }
0x27: {  	s1 =	sld [smem:$0x3FA9]  }
0x28: {  	s2 =	sld [smem:$0x3FAA]  }
0x29: {  	s4 =	sld [smem:$0x3FAC]  }
0x2a: {  	p0 =	seq.s32 s5, $0x0;
	s5 =	sld [smem:$0x3FAD]  }
0x2b: {  	s6 =	sld [smem:$0x3FAE]  }
0x2c: {  	s7 =	sld [smem:$0x3FAF]  }
0x2d: {  	s3 =	simm.s32 $0x108;
	s8 =	sld [smem:$0x3FB0]  }
0x2e: {  	s3 =	simm.s32 @!p0 $0x1082;
	s9 =	sld [smem:$0x3FB1]  }
0x2f: {  	lr =	sadd.s32 s0, s3;
	s0 =	sld [smem:$0x3FA8]  }
0x30: {  	s3 =	sld [smem:$0x3FAB]  }
0x31: {  	[smem:$0x3FB4] =	sst s10  }
0x32: {  	s10 =	sld [smem:$0x3FB2];
	_ =	sdelay $0x3  }
0x33: {  	p0 =	seq.s32 s10, $0x1;
	s10 =	sld [smem:$0x3FB4];
	_ =	sdelay $0x3  }
0x34: {  	[smem:$0x3FB4] =	sst s10  }
0x35: {  	s10 =	sld [smem:$0x3FB3];
	_ =	sdelay $0x3  }
0x36: {  	p1 =	seq.s32 s10, $0x1;
	s10 =	sld [smem:$0x3FB4];
	_ =	sdelay $0x3  }
0x37: {  	[smem:$0x3FB4] =	sst s10  }
0x38: {  	s10 =	sld [smem:$0x3FB5]  }
0x39: {  	_ = 	snop;
	(pc) =	sbr.ind lr, $3  }
0x3a: {  	_ = 	snop  }
0x3b: {  	_ = 	snop  }
0x3c: {  	p2 =	seq.s32 s10, $0x1;
	s10 =	sld [smem:$0x3FB4]  }
0x3d: {  	_ =	shalt  }
0x3e: {  	_ =	shalt  }
0x3f: {  	_ =	shalt  }
0x40: {  	_ =	shalt  }
0x41: {  	_ =	shalt  }
0x42: {  	_ =	shalt  }
0x43: {  	_ =	shalt  }
0x44: {  	_ =	shalt  }
0x45: {  	_ =	shalt  }
0x46: {  	_ =	shalt  }
0x47: {  	_ =	shalt  }
0x48: {  	_ =	shalt  }
0x49: {  	_ =	shalt  }
0x4a: {  	_ =	shalt  }
0x4b: {  	_ =	shalt  }
0x4c: {  	_ =	shalt  }
0x4d: {  	_ =	shalt  }
0x4e: {  	_ =	shalt  }
0x4f: {  	_ =	shalt  }
0x50: {  	_ =	shalt  }
0x51: {  	_ =	shalt  }
0x52: {  	_ =	shalt  }
0x53: {  	_ =	shalt  }
0x54: {  	_ =	shalt  }
0x55: {  	_ =	shalt  }
0x56: {  	_ =	shalt  }
0x57: {  	_ =	shalt  }
0x58: {  	_ =	shalt  }
0x59: {  	_ =	shalt  }
0x5a: {  	_ =	shalt  }
0x5b: {  	_ =	shalt  }
0x5c: {  	_ =	shalt  }
0x5d: {  	_ =	shalt  }
0x5e: {  	_ =	shalt  }
0x5f: {  	_ =	shalt  }
0x60: {  	_ =	shalt  }
0x61: {  	_ =	shalt  }
0x62: {  	_ =	shalt  }
0x63: {  	_ =	shalt  }
0x64: {  	_ =	shalt  }
0x65: {  	_ =	shalt  }
0x66: {  	_ =	shalt  }
0x67: {  	_ =	shalt  }
0x68: {  	_ =	shalt  }
0x69: {  	_ =	shalt  }
0x6a: {  	_ =	shalt  }
0x6b: {  	_ =	shalt  }
0x6c: {  	_ =	shalt  }
0x6d: {  	_ =	shalt  }
0x6e: {  	_ =	shalt  }
0x6f: {  	_ =	shalt  }
0x70: {  	_ =	shalt  }
0x71: {  	_ =	shalt  }
0x72: {  	_ =	shalt  }
0x73: {  	_ =	shalt  }
0x74: {  	_ =	shalt  }
0x75: {  	_ =	shalt  }
0x76: {  	_ =	shalt  }
0x77: {  	_ =	shalt  }
0x78: {  	_ =	shalt  }
0x79: {  	_ =	shalt  }
0x7a: {  	_ =	shalt  }
0x7b: {  	_ =	shalt  }
0x7c: {  	_ =	shalt  }
0x7d: {  	_ =	shalt  }
0x7e: {  	_ =	shalt  }
0x7f: {  	_ =	shalt  }
0x80: {  	_ =	shalt  }
0x81: {  	_ =	shalt  }
0x82: {  	_ =	shalt  }
0x83: {  	_ =	shalt  }
0x84: {  	_ =	shalt  }
0x85: {  	_ =	shalt  }
0x86: {  	_ =	shalt  }
0x87: {  	_ =	shalt  }
.Lfunc_end0:
.L_simem_size_0:
called_computation_lowered:
.L_overlay_start_0:
0x88: {  	s2 =	sld [smem:$0x3FD9]  }
0x89: {  	s3 =	sld [smem:$0x3FFE];
	_ =	sdelay $0x1  }
0x8a: {  	s1 =	srdreg.scid  }
0x8b: {  	s0 =	sand.u32 $0x1, s1  }
0x8c: {  	s16 =	sshll.u32 s0, $0xA;
	s2 =	sadd.s32 s3, s2  }
0x8d: {  	s2 =	sadd.s32 s2, s16  }
0x8e: {  	[smem:$0x3FC0] =	sst s2  }
0x8f: {  	_ = 	snop  }
0x90: {  	(tm) =	ssettm $0x1  }
0x91: {  	s17 =	sld [smem:$0x3FFB];
	_ =	sdelay $0x3  }
0x92: {  	_ =	strace s17  }
0x93: {  	s2 =	sld [smem:$0x3FFC];
	_ =	sdelay $0x3  }
0x94: {  	_ =	strace s2  }
0x95: {  	s2 =	sld [smem:$0x3FFD];
	_ =	sdelay $0x3  }
0x96: {  	_ =	strace s2  }
0x97: {  	_ =	strace $0x8FFFFFFF  }
0x98: {  	s18 =	sld [smem:$0x3FDB];
	_ =	sdelay $0x1  }
0x99: {  	s19 =	simm.s32 $_scs_section_size  }
0x9a: {  	s4 =	simm.s32 $_size__tile_overlayer_lowered;
	s5 =	simm.s32 $_tile_overlayer_lowered  }
0x9b: {  	s22 =	simm.s32 $0x1BFF;
	s21 =	sshll.u32 s5, $0x1;
	s2 =	sadd.s32 s19, s18  }
0x9c: {  	s6 =	simm.s32 $0x0;
	s20 =	sshll.u32 s4, $0x1;
	s4 =	sadd.s32 s21, s2  }
0x9d: {  	[timem:s6], [sflag:s22] =	dma.local [hbm:s4], s20  }
0x9e: {  	_ =	swait.ge [sflag:s22], s20  }
0x9f: {  	s3 =	ssub.s32 $0x0, s20;
	[sflag:s22] =	ssyncset.done $0x0  }
0xa0: {  	[sflag:s22] =	ssyncadd.s32 s3;
	_ =	sdelay $0x1  }
0xa1: {  	s23 =	simm.s32 $0x1B8B  }
0xa2: {  	_ =	swait.ge [sflag:s23], $0x1  }
0xa3: {  	[sflag:s23] =	ssyncset.done $0x0  }
0xa4: {  	s25 =	simm.s32 $0x1B8E;
	s24 =	sld [smem:$0x3FFE];
	[sflag:s23] =	ssyncadd.s32 $0xFFFFFFFF  }
0xa5: {  	s26 =	simm.s32 $execute0_lowered;
	[smem:$0x3FD2] =	sst s25  }
0xa6: {  	s4 =	sshll.u32 s26, $0x1;
	_ =	strace $0x80000046;
	[dreg:$0x1] =	wrdreg $0xFFFFFFFF  }
0xa7: {  	s28 =	simm.s32 $_size_execute0_lowered;
	s2 =	sadd.s32 s2, s4;
	[dreg:$0x0] =	wrdreg $0x0  }
0xa8: {  	s4 =	sshll.u32 s28, $0x1;
	[dreg:$0x2] =	wrdreg s2  }
0xa9: {  	[dreg:$0x3] =	wrdreg s4  }
0xaa: {  	[dreg:$0x4] =	wrdreg $0xC0  }
0xab: {  	_ =	task [dreg:s6], $0x5FFFF  }
0xac: {  	[dreg:$0x1] =	wrdreg $0xFFFFFFFF  }
0xad: {  	[dreg:$0x0] =	wrdreg $0x60  }
0xae: {  	[dreg:$0x2] =	wrdreg s24  }
0xaf: {  	[dreg:$0x3] =	wrdreg $0x40800  }
0xb0: {  	[dreg:$0x4] =	wrdreg $0x9  }
0xb1: {  	_ =	task.clear_ibuf [dreg:s6], $0x5FFFF;
	_ =	strace $0x90000046  }
0xb2: {  	s29 =	simm.s32 $0x9;
	_ =	strace $0x80000048  }
0xb3: {  	_ =	swait.ge [sflag:s29], $0x1  }
0xb4: {  	[sflag:s29] =	ssyncadd.s32 $0xFFFFFFFF  }
0xb5: {  	_ =	strace $0x90000048  }
0xb6: {  	_ =	sfence  }
0xb7: {  	s30 =	sld [smem:$0x0];
	_ =	sdelay $0x2  }
0xb8: {  	s31 =	sshll.u32 s1, $0xD;
	s1 =	sshrl.u32 s1, $0x2  }
0xb9: {  	s3 =	sand.u32 $0x4000, s31;
	s1 =	sadd.s32 s1, s30  }
0xba: {  	s0 =	sor.u32 s3, s0;
	s1 =	sshll.u32 s1, $0x11  }
0xbb: {  	s0 =	sor.u32 s1, s0  }
0xbc: {  	s0 =	sadd.s32 $0x8F2B, s0  }
0xbd: {  	[sflag:s0] =	ssyncadd.remote.s32 $0x1  }
0xbe: {  	_ =	sfence.sel $0xFFFF  }
0xbf: {  	[dreg:$0x0] =	wrdreg $0xFFFFFFFF;
	(pc) =	sbr.abs _section_cstart, $3  }
0xc0: {  	[dreg:$0x1] =	wrdreg $0xFFFFFFFF  }
0xc1: {  	_ =	task.clear_ibuf [dreg:s6], $0x2FFFF;
	_ =	strace $0x9FFFFFFF  }
0xc2: {  	(tm) =	ssettm $0x7FFFFFFF  }
0xc3: {  	_ =	shalt  }
tec
execute0_lowered:
.L_overlay_start_1:
0x0: {  	(tag) =	ssettag $0x1  }
0x1: {  	s4 =	rddreg [dreg:$0x0]  }
0x2: {  	s0 =	srdreg.scid;
	s2 =	rddreg [dreg:$0x1]  }
0x3: {  	s1 =	rddreg [dreg:$0x2];
	s5 =	sand.u32 $0x1, s0  }
0x4: {  	s0 =	stileid.u32;
	s6 =	smul.u32 $0x13C000, s5  }
0x5: {  	s3 =	simm.s32 $0x0;
	s13 =	simm.s32 $0x1;
	s7 =	smul.u32 $0x13C00, s0  }
0x6: {  	s16 =	simm.s32 $0x0;
	[smem:$0x7FF] =	sst s3;
	s8 =	smul.u32 $0xA00, s0  }
0x7: {  	s28 =	smul.u32 $0x4F000, s0;
	_ =	strace $0x80000047;
	s29 =	ssub.s32 $0x2, s5  }
0x8: {  	s11 =	smul.u32 $0x500, s5;
	s14 =	sshll.u32 s0, $0x6;
	s31 =	sshrl.u32 s29, $0x1  }
0x9: {  	s14 =	sor.u32 $0x1C01, s14;
	s6 =	sadd.s32 s7, s6;
	s9 =	sadd.s32 s8, s4  }
0xa: {  	s30 =	sshrl.u32 s28, $0x2;
	s12 =	ssub.s32 s29, s31;
	s6 =	sshrl.u32 s6, $0x3  }
0xb: {  	s11 =	sadd.s32 s11, s9;
	s10 =	sadd.s32 s6, s4;
	s4 =	sadd.s32 s30, s2  }
0xc: {  	s11 =	sadd.s32 $0x2E00, s11;
	s5 =	sadd.s32 $0x4000, s4;
	s6 =	sadd.s32 $0x8000, s4  }
0xd: {  	s7 =	sadd.s32 $0xC000, s4;
	s8 =	sadd.s32 $0x10000, s4;
	s9 =	sadd.s32 $0xCE00, s10  }
0xe: {  	v0 =	vimm.f32 $0.0e+00;
	v1 =	vimm.f32 $1.000000000e+00;
	s10 =	smax.u32 s12, $0x1;
	s12 =	simm.s32 $0x80;
	s15 =	sshrl.u32 s4, $0x3  }
.LBB2_1:
0xf: {  	s17 =	simm.s32 $0x200;
	s18 =	simm.s32 $0x0  }
.LBB2_2:
0x10: {  	p0 =	sne.s32 s17, $0xFE00;
	[tilespmem:s18+$0x80] =	vst v0;
	s18 =	smov.u32 s17;
	s17 =	sadd.s32 $0x200, s17  }
.Ltmp0:
0x11: {  	(pc) =	sbr.rel @p0 .LBB2_2-.Ltmp0, $2  }
0x12: {  	_ =	sdelay $0x2  }
0x13: {  	s18 =	sshra.s32 s18, $0x2  }
0x14: {  	[tilespmem:s18+$0x80] =	vst v0  }
0x15: {  	[spmem:s4] =	stream.linear.scatter [tilespmem:s12], [sflag:$0x1], $0x4000, $0x38;
	[tilespmem:$0x6800] =	vst v63  }
0x16: {  	_ =	swait.ge [sflag:s13], $0x4000  }
0x17: {  	[sflag:s13] =	ssyncset.done $0x0  }
0x18: {  	[sflag:s13] =	ssyncadd.s32 $0xFFFFC000  }
0x19: {  	[spmem:s5] =	stream.linear.scatter [tilespmem:s12], [sflag:$0x1], $0x4000, $0x38;
	[tilespmem:$0x6800] =	vst v63  }
0x1a: {  	_ =	swait.ge [sflag:s13], $0x4000  }
0x1b: {  	[sflag:s13] =	ssyncset.done $0x0  }
0x1c: {  	[sflag:s13] =	ssyncadd.s32 $0xFFFFC000  }
0x1d: {  	[spmem:s6] =	stream.linear.scatter [tilespmem:s12], [sflag:$0x1], $0x4000, $0x38;
	[tilespmem:$0x6800] =	vst v63  }
0x1e: {  	_ =	swait.ge [sflag:s13], $0x4000  }
0x1f: {  	[sflag:s13] =	ssyncset.done $0x0  }
0x20: {  	[sflag:s13] =	ssyncadd.s32 $0xFFFFC000  }
0x21: {  	[spmem:s7] =	stream.linear.scatter [tilespmem:s12], [sflag:$0x1], $0x4000, $0x38;
	[tilespmem:$0x6800] =	vst v63  }
0x22: {  	_ =	swait.ge [sflag:s13], $0x4000  }
0x23: {  	[sflag:s13] =	ssyncset.done $0x0  }
0x24: {  	[sflag:s13] =	ssyncadd.s32 $0xFFFFC000  }
0x25: {  	[spmem:s8] =	stream.linear.scatter [tilespmem:s12], [sflag:$0x1], $0x3C00, $0x38;
	[tilespmem:$0x6800] =	vst v63  }
0x26: {  	_ =	swait.ge [sflag:s13], $0x3C00  }
0x27: {  	[sflag:s13] =	ssyncset.done $0x0  }
0x28: {  	s17 =	simm.s32 $0x200;
	s18 =	simm.s32 $0x0;
	[sflag:s13] =	ssyncadd.s32 $0xFFFFC400  }
.LBB2_4:
0x29: {  	p0 =	sne.s32 s17, $0xFE00;
	[tilespmem:s18+$0x80] =	vst v1;
	s18 =	smov.u32 s17;
	s17 =	sadd.s32 $0x200, s17  }
.Ltmp1:
0x2a: {  	(pc) =	sbr.rel @p0 .LBB2_4-.Ltmp1, $2  }
0x2b: {  	_ =	sdelay $0x2  }
0x2c: {  	s18 =	sshra.s32 s18, $0x2  }
0x2d: {  	[tilespmem:s18+$0x80] =	vst v1  }
0x2e: {  	s17 =	sadd.s32 $0x0, s11;
	[bflag:$0x0] =	sbarrier.arrive $0xFFFF  }
0x2f: {  	[tilespmem:s3], [sflag:$0x1] =	stream.linear.gather [hbm4b:s17+s3], $0x80, $0x38;
	[tilespmem:$0x6800] =	vst v63  }
0x30: {  	_ =	swait.ge [sflag:s13], $0x80  }
0x31: {  	[sflag:s13] =	ssyncset.done $0x0  }
0x32: {  	[sflag:s13] =	ssyncadd.s32 $0xFFFFFF80  }
0x33: {  	[spmem:s2] =	stream.indirect.scatter.add.f32 [tilespmem:s12], [sflag:$0x1], $0x10, s3, s12, $0xb8;
	[tilespmem:$0x6800] =	vst v63  }
0x34: {  	_ =	swait.ge [sflag:s13], $0x800  }
0x35: {  	s18 =	simm.s32 $0x20;
	s17 =	simm.s32 $0x10;
	[sflag:s13] =	ssyncset.done $0x0  }
.LBB2_6:
0x36: {  	s19 =	sadd.s32 s17, s11  }
0x37: {  	[sflag:s13] =	ssyncadd.s32 $0xFFFFF800;
	s17 =	smov.u32 s18;
	s20 =	sadd.s32 $0x10, s18  }
0x38: {  	[tilespmem:s3], [sflag:$0x1] =	stream.linear.gather [hbm4b:s19+s3], $0x80, $0x38;
	[tilespmem:$0x6800] =	vst v63  }
0x39: {  	p0 =	sne.s32 s18, $0x4F0;
	_ =	swait.ge [sflag:s13], $0x80  }
.Ltmp2:
0x3a: {  	[sflag:s13] =	ssyncset.done $0x0;
	(pc) =	sbr.rel @p0 .LBB2_6-.Ltmp2, $4  }
0x3b: {  	[sflag:s13] =	ssyncadd.s32 $0xFFFFFF80  }
0x3c: {  	[spmem:s2] =	stream.indirect.scatter.add.f32 [tilespmem:s12], [sflag:$0x1], $0x10, s3, s12, $0xb8;
	[tilespmem:$0x6800] =	vst v63  }
0x3d: {  	_ =	swait.ge [sflag:s13], $0x800  }
0x3e: {  	s18 =	smov.u32 s20;
	[sflag:s13] =	ssyncset.done $0x0  }
0x3f: {  	s17 =	sadd.s32 s17, s11;
	[sflag:s13] =	ssyncadd.s32 $0xFFFFF800  }
0x40: {  	[tilespmem:s3], [sflag:$0x1] =	stream.linear.gather [hbm4b:s17+s3], $0x80, $0x38;
	[tilespmem:$0x6800] =	vst v63  }
0x41: {  	_ =	swait.ge [sflag:s13], $0x80  }
0x42: {  	[sflag:s13] =	ssyncset.done $0x0  }
0x43: {  	[sflag:s13] =	ssyncadd.s32 $0xFFFFFF80  }
0x44: {  	[spmem:s2] =	stream.indirect.scatter.add.f32 [tilespmem:s12], [sflag:$0x1], $0x10, s3, s12, $0xb8;
	[tilespmem:$0x6800] =	vst v63  }
0x45: {  	_ =	swait.ge [sflag:s13], $0x800  }
0x46: {  	s16 =	sadd.s32 $0x1, s16;
	[sflag:s13] =	ssyncset.done $0x0  }
0x47: {  	p0 =	sne.s32 s16, s10;
	[sflag:s13] =	ssyncadd.s32 $0xFFFFF800  }
.Ltmp3:
0x48: {  	[bflag:$0x0] =	sbarrier.arrive $0xFFFF;
	(pc) =	sbr.rel @p0 .LBB2_1-.Ltmp3, $4  }
0x49: {  	[hbm:s9], [sflag:s14] =	dma.local [spmem:s15], $0x2780  }
0x4a: {  	_ =	swait.ge [sflag:s13], $0x2780  }
0x4b: {  	[sflag:s13] =	ssyncset.done $0x0  }
0x4c: {  	[sflag:s13] =	ssyncadd.s32 $0xFFFFD880  }
0x4d: {  	_ =	sfence.sel $0x180000  }
0x4e: {  	[bflag:$0x0] =	sbarrier.arrive $0xFFFF  }
0x4f: {  	p0 =	sne.s32 s0, $0x0;
	_ =	strace $0x90000047  }
0x50: {  	s0 =	sadd.s32 @!p0 $0x100000, s1;
	[bflag:$0x2] =	sbarrier.arrive $0xFFFF  }
0x51: {  	[sflag:s0] =	ssyncadd.tile.s32 @!p0 $0x1;
	_ =	shalt  }
.Lfunc_end2:
_tile_overlayer_lowered:
.L_overlay_start_2:
0x52: {  	(tag) =	ssettag $0x2  }
0x53: {  	s0 =	rddreg [dreg:$0x0];
	s2 =	stileid.u32  }
0x54: {  	s1 =	rddreg [dreg:$0x1];
	p0 =	sne.s32 s2, $0x0  }
0x55: {  	s3 =	rddreg [dreg:$0x2];
	[bflag:$0x3] =	sbarrier.arrive $0xFFFF;
	s2 =	simm.s32 @!p0 $0x1C01  }
0x56: {  	[timem:s3], [sflag:s2] =	dma.local @!p0 [hbm:s0], s1  }
0x57: {  	s0 =	simm.s32 @!p0 $0x1  }
0x58: {  	_ =	swait.ge @!p0 [sflag:s0], s1  }
0x59: {  	s1 =	ssub.s32 @!p0 $0x0, s1;
	[sflag:s0] =	ssyncset.done @!p0 $0x0  }
0x5a: {  	[sflag:s0] =	ssyncadd.s32 @!p0 s1  }
0x5b: {  	[bflag:$0x3] =	sbarrier.arrive $0xFFFF  }
0x5c: {  	_ =	shalt  }

</sc_bundles>
